<compile_context>
chip_gen: v7x
topology: tpu7x:2x2x1
jax: 0.10.2.dev20260603
libtpu: 0.0.44.dev20260713+nightly
codegen_flags: <defaults>
</compile_context>

<pallas_src>
import functools

import jax
import jax.numpy as jnp
from jax import lax
from jax.experimental import pallas as pl
from jax.experimental.pallas import tpu as pltpu
from jax.experimental.pallas import tpu_sc as plsc

NC = 2
NS = 16
L = 16
NW = NC * NS

C = 128
W = 128


def kernel(x, table, scale):
    B, S = x.shape
    V, D = table.shape
    N = B * S

    xi = x.reshape(N).astype(jnp.int32)
    t2 = table.reshape(V // 2, 2 * D)
    scale_vec = jnp.broadcast_to(scale.astype(jnp.float32), (L,))

    t_per_w = N // NW
    n_chunks = t_per_w // C
    n_g = n_chunks // 2

    mesh = plsc.VectorSubcoreMesh(core_axis_name="c", subcore_axis_name="s")

    @functools.partial(
        pl.kernel,
        out_type=jax.ShapeDtypeStruct((N, D), jnp.float32),
        mesh=mesh,
        scratch_types=[
            pltpu.VMEM((C,), jnp.int32),
            pltpu.VMEM((C,), jnp.int32),
            pltpu.VMEM((C + L,), jnp.int32),
            pltpu.VMEM((C + L,), jnp.int32),
            pltpu.VMEM((C, 2 * D), jnp.float32),
            pltpu.VMEM((C, 2 * D), jnp.float32),
            pltpu.VMEM((C, D), jnp.float32),
            pltpu.VMEM((C, D), jnp.float32),
            pltpu.VMEM((L,), jnp.float32),
            pltpu.SemaphoreType.DMA,
            pltpu.SemaphoreType.DMA,
            pltpu.SemaphoreType.DMA,
            pltpu.SemaphoreType.DMA,
        ],
        compiler_params=pltpu.CompilerParams(use_tc_tiling_on_sc=True),
    )
    def emb_kernel(idx_hbm, t2_hbm, scale_hbm, out_hbm,
                   idx2_0, idx2_1, par_0, par_1, rows_0, rows_1,
                   outv_0, outv_1, scale_v, gsem0, gsem1, osem0, osem1):
        wid = lax.axis_index("s") * NC + lax.axis_index("c")
        base = wid * t_per_w
        pltpu.sync_copy(scale_hbm, scale_v)
        sv = scale_v[...]

        bufs = ((idx2_0, par_0, rows_0, outv_0, gsem0, osem0),
                (idx2_1, par_1, rows_1, outv_1, gsem1, osem1))

        def fire_gather(ci, idx2, par, rows, gsem):
            pltpu.sync_copy(idx_hbm.at[pl.ds(base + ci * C, C)], idx2)
            for t in range(C // L):
                sl = pl.ds(t * L, L)
                v = idx2[sl]
                par[sl] = (v & 1) << 6
                idx2[sl] = v >> 1
            for w in range(C // W):
                pltpu.async_copy(
                    t2_hbm.at[idx2.at[pl.ds(w * W, W)]],
                    rows.at[pl.ds(w * W, W)], gsem)

        def wait_gather(idx2, rows, gsem):
            for w in range(C // W):
                pltpu.make_async_copy(
                    t2_hbm.at[idx2.at[pl.ds(w * W, W)]],
                    rows.at[pl.ds(w * W, W)], gsem).wait()

        for b in range(2):
            idx2, par, rows, _, gsem, _ = bufs[b]
            fire_gather(b, idx2, par, rows, gsem)

        @pl.loop(0, n_g)
        def _(g):
            for b in range(2):
                idx2, par, rows, outv, gsem, osem = bufs[b]
                ci = g * 2 + b
                wait_gather(idx2, rows, gsem)

                @pl.when(g >= 1)
                def _():
                    pltpu.make_async_copy(
                        outv, out_hbm.at[pl.ds(base + (ci - 2) * C, C)],
                        osem).wait()

                @pl.loop(0, C)
                def _(r):
                    c0 = par[pl.ds(r, L)][0]
                    for jj in range(D // L):
                        outv[r, pl.ds(jj * L, L)] = (
                            rows[r, pl.ds(c0 + jj * L, L)] * sv)

                pltpu.async_copy(
                    outv, out_hbm.at[pl.ds(base + ci * C, C)], osem)

                @pl.when(g < n_g - 1)
                def _():
                    fire_gather(ci + 2, idx2, par, rows, gsem)

        for b in range(2):
            _, _, _, outv, _, osem = bufs[b]
            pltpu.make_async_copy(
                outv, out_hbm.at[pl.ds(base + (n_chunks - 2 + b) * C, C)],
                osem).wait()

    return emb_kernel(xi, t2, scale_vec).reshape(B, S, D)

# --- scband reference (transcript-rebuilt; emitter-appended) ---
"""Pipeline reference for scband-embedding-88965952569951 (READ-ONLY COPY).

The authoritative reference and input builder live on the scoring server;
editing this copy changes nothing except your own understanding.
"""

import jax, jax.numpy as jnp
import numpy as np

VOCAB = 1000000
D_MODEL = 64
BATCH = 4096
SEQ = 200


def setup_inputs(seed: int = 0) -> dict:
    key = jax.random.key(seed)
    k_tbl, k_idx = jax.random.split(key)
    # Embedding table (learned parameter), padding_idx=0 row zeroed.
    table = jax.random.normal(k_tbl, (VOCAB, D_MODEL), dtype=jnp.float32) * 0.02
    table = table.at[0].set(0.0)
    # Learned scalar scale parameter, initialized to sqrt(d_model).
    scale = jnp.asarray(np.sqrt(D_MODEL), dtype=jnp.float32)
    # Token indices in [0, VOCAB).
    x = jax.random.randint(k_idx, (BATCH, SEQ), 0, VOCAB, dtype=jnp.int64 if jax.config.jax_enable_x64 else jnp.int32)
    return {"x": x, "table": table, "scale": scale}


def reference(x, table, scale):
    # nn.Embedding with padding_idx=0: row 0 is always zero.
    tbl = table.at[0].set(0.0)
    # Gather rows (SparseCore-friendly embedding lookup).
    emb = jnp.take(tbl, x, axis=0)
    # .to(self.dtype) with dtype=None is a no-op; dropout p=0.0 is identity.
    return emb * scale

if __name__ == "__main__":
    import jax
    _d = setup_inputs()
    print(jax.jit(kernel)(*tuple(_d.values())))

</pallas_src>

<mosaic_0001>
#map = affine_map<(d0, d1) -> (0)>
#map1 = affine_map<(d0, d1) -> (0, 0)>
module attributes {stable_mosaic.version = 14 : i64} {
  func.func @emb_kernel(%arg0: i32, %arg1: i32, %arg2: memref<819200xi32, #tpu.memory_space<hbm>>, %arg3: memref<500000x128xf32, #tpu.memory_space<hbm>>, %arg4: memref<16xf32, #tpu.memory_space<hbm>>, %arg5: memref<819200x64xf32, #tpu.memory_space<hbm>>, %arg6: memref<128xi32, #tpu.memory_space<vmem>>, %arg7: memref<128xi32, #tpu.memory_space<vmem>>, %arg8: memref<144xi32, #tpu.memory_space<vmem>>, %arg9: memref<144xi32, #tpu.memory_space<vmem>>, %arg10: memref<128x128xf32, #tpu.memory_space<vmem>>, %arg11: memref<128x128xf32, #tpu.memory_space<vmem>>, %arg12: memref<128x64xf32, #tpu.memory_space<vmem>>, %arg13: memref<128x64xf32, #tpu.memory_space<vmem>>, %arg14: memref<16xf32, #tpu.memory_space<vmem>>, %arg15: memref<!tpu.dma_semaphore, #tpu.memory_space<semaphore_mem>>, %arg16: memref<!tpu.dma_semaphore, #tpu.memory_space<semaphore_mem>>, %arg17: memref<!tpu.dma_semaphore, #tpu.memory_space<semaphore_mem>>, %arg18: memref<!tpu.dma_semaphore, #tpu.memory_space<semaphore_mem>>) attributes {dimension_semantics = [#tpu.dimension_semantics<core_parallel>, #tpu.dimension_semantics<subcore_parallel>], iteration_bounds = array<i64: 2, 16>, scalar_prefetch = 0 : i64, scratch_operands = 13 : i64, tpu.core_type = #tpu.core_type<sc_vector_subcore>, window_params = [{transform_indices = #map}, {transform_indices = #map1}, {transform_indices = #map}, {transform_indices = #map1}]} {
    %mul3A = arith.constant 2 : i32
    %mul3A_0 = arith.muli %arg1, %mul3A : i32
    %add3A = arith.addi %mul3A_0, %arg0 : i32
    %mul3A_1 = arith.constant 25600 : i32
    %mul3A_2 = arith.muli %add3A, %mul3A_1 : i32
    "tpu.region"() ({
      %run_scoped3A = tpu.sem_alloc : memref<!tpu.dma_semaphore, #tpu.memory_space<semaphore_mem>>
      tpu.enqueue_dma source(%arg4 : memref<16xf32, #tpu.memory_space<hbm>>) target(%arg14 : memref<16xf32, #tpu.memory_space<vmem>>) target_semaphore(%run_scoped3A : memref<!tpu.dma_semaphore, #tpu.memory_space<semaphore_mem>>)
      tpu.wait_dma2 semaphore(%run_scoped3A : memref<!tpu.dma_semaphore, #tpu.memory_space<semaphore_mem>>) src(%arg4 : memref<16xf32, #tpu.memory_space<hbm>>) dst(%arg14 : memref<16xf32, #tpu.memory_space<vmem>>)
      tpu.yield
    }) : () -> ()
    %get3A = arith.constant 0 : index
    %get3A_3 = tpu.vector_load %arg14[%get3A] {strides = array<i32>} : memref<16xf32, #tpu.memory_space<vmem>>, vector<16xf32>,
    %get3A_4 = vector.shape_cast %get3A_3 : vector<16xf32> to vector<16xf32>
    %add3A_5 = arith.constant 0 : i32
    %add3A_6 = arith.addi %mul3A_2, %add3A_5 : i32
    "tpu.region"() ({
      %run_scoped3A = tpu.sem_alloc : memref<!tpu.dma_semaphore, #tpu.memory_space<semaphore_mem>>
      %dma_start3A_355 = tpu.memref_slice %arg2[%add3A_6] : memref<819200xi32, #tpu.memory_space<hbm>> -> memref<128xi32, #tpu.memory_space<hbm>>
      %dma_start3A_356 = tpu.memref_slice %arg2[%add3A_6] : memref<819200xi32, #tpu.memory_space<hbm>> -> memref<128xi32, #tpu.memory_space<hbm>>
      tpu.enqueue_dma source(%dma_start3A_356 : memref<128xi32, #tpu.memory_space<hbm>>) target(%arg6 : memref<128xi32, #tpu.memory_space<vmem>>) target_semaphore(%run_scoped3A : memref<!tpu.dma_semaphore, #tpu.memory_space<semaphore_mem>>)
      %dma_wait3A_357 = tpu.memref_slice %arg2[%add3A_6] : memref<819200xi32, #tpu.memory_space<hbm>> -> memref<128xi32, #tpu.memory_space<hbm>>
      %dma_wait3A_358 = tpu.memref_slice %arg2[%add3A_6] : memref<819200xi32, #tpu.memory_space<hbm>> -> memref<128xi32, #tpu.memory_space<hbm>>
      tpu.wait_dma2 semaphore(%run_scoped3A : memref<!tpu.dma_semaphore, #tpu.memory_space<semaphore_mem>>) src(%dma_wait3A_358 : memref<128xi32, #tpu.memory_space<hbm>>) dst(%arg6 : memref<128xi32, #tpu.memory_space<vmem>>)
      tpu.yield
    }) : () -> ()
    %get3A_7 = arith.constant 0 : index
    %get3A_8 = tpu.vector_load %arg6[%get3A_7] {strides = array<i32>} : memref<128xi32, #tpu.memory_space<vmem>>, vector<16xi32>,
    %get3A_9 = vector.shape_cast %get3A_8 : vector<16xi32> to vector<16xi32>
    %and3A = arith.constant 1 : i32
    %and3A_10 = vector.broadcast %and3A : i32 to vector<16xi32>
    %and3A_11 = arith.andi %get3A_9, %and3A_10 : vector<16xi32>
    %shift_left3A = arith.constant 6 : i32
    %shift_left3A_12 = vector.broadcast %shift_left3A : i32 to vector<16xi32>
    %shift_left3A_13 = arith.shli %and3A_11, %shift_left3A_12 : vector<16xi32>
    %swap3A = arith.constant 0 : index
    %swap3A_14 = tpu.vector_load %arg8[%swap3A] {strides = array<i32>} : memref<144xi32, #tpu.memory_space<vmem>>, vector<16xi32>,
    %swap3A_15 = vector.shape_cast %swap3A_14 : vector<16xi32> to vector<16xi32>
    %swap3A_16 = vector.shape_cast %shift_left3A_13 : vector<16xi32> to vector<16xi32>
    tpu.vector_store %arg8[%swap3A], %swap3A_16 {strides = array<i32>} : memref<144xi32, #tpu.memory_space<vmem>>, vector<16xi32>,
    %shift_right_arithmetic3A = arith.constant 1 : i32
    %shift_right_arithmetic3A_17 = vector.broadcast %shift_right_arithmetic3A : i32 to vector<16xi32>
    %shift_right_arithmetic3A_18 = arith.shrsi %get3A_9, %shift_right_arithmetic3A_17 : vector<16xi32>
    %swap3A_19 = arith.constant 0 : index
    %swap3A_20 = tpu.vector_load %arg6[%swap3A_19] {strides = array<i32>} : memref<128xi32, #tpu.memory_space<vmem>>, vector<16xi32>,
    %swap3A_21 = vector.shape_cast %swap3A_20 : vector<16xi32> to vector<16xi32>
    %swap3A_22 = vector.shape_cast %shift_right_arithmetic3A_18 : vector<16xi32> to vector<16xi32>
    tpu.vector_store %arg6[%swap3A_19], %swap3A_22 {strides = array<i32>} : memref<128xi32, #tpu.memory_space<vmem>>, vector<16xi32>,
    %get3A_23 = arith.constant 16 : index
    %get3A_24 = tpu.vector_load %arg6[%get3A_23] {strides = array<i32>} : memref<128xi32, #tpu.memory_space<vmem>>, vector<16xi32>,
    %get3A_25 = vector.shape_cast %get3A_24 : vector<16xi32> to vector<16xi32>
    %and3A_26 = arith.constant 1 : i32
    %and3A_27 = vector.broadcast %and3A_26 : i32 to vector<16xi32>
    %and3A_28 = arith.andi %get3A_25, %and3A_27 : vector<16xi32>
    %shift_left3A_29 = arith.constant 6 : i32
    %shift_left3A_30 = vector.broadcast %shift_left3A_29 : i32 to vector<16xi32>
    %shift_left3A_31 = arith.shli %and3A_28, %shift_left3A_30 : vector<16xi32>
    %swap3A_32 = arith.constant 16 : index
    %swap3A_33 = tpu.vector_load %arg8[%swap3A_32] {strides = array<i32>} : memref<144xi32, #tpu.memory_space<vmem>>, vector<16xi32>,
    %swap3A_34 = vector.shape_cast %swap3A_33 : vector<16xi32> to vector<16xi32>
    %swap3A_35 = vector.shape_cast %shift_left3A_31 : vector<16xi32> to vector<16xi32>
    tpu.vector_store %arg8[%swap3A_32], %swap3A_35 {strides = array<i32>} : memref<144xi32, #tpu.memory_space<vmem>>, vector<16xi32>,
    %shift_right_arithmetic3A_36 = arith.constant 1 : i32
    %shift_right_arithmetic3A_37 = vector.broadcast %shift_right_arithmetic3A_36 : i32 to vector<16xi32>
    %shift_right_arithmetic3A_38 = arith.shrsi %get3A_25, %shift_right_arithmetic3A_37 : vector<16xi32>
    %swap3A_39 = arith.constant 16 : index
    %swap3A_40 = tpu.vector_load %arg6[%swap3A_39] {strides = array<i32>} : memref<128xi32, #tpu.memory_space<vmem>>, vector<16xi32>,
    %swap3A_41 = vector.shape_cast %swap3A_40 : vector<16xi32> to vector<16xi32>
    %swap3A_42 = vector.shape_cast %shift_right_arithmetic3A_38 : vector<16xi32> to vector<16xi32>
    tpu.vector_store %arg6[%swap3A_39], %swap3A_42 {strides = array<i32>} : memref<128xi32, #tpu.memory_space<vmem>>, vector<16xi32>,
    %get3A_43 = arith.constant 32 : index
    %get3A_44 = tpu.vector_load %arg6[%get3A_43] {strides = array<i32>} : memref<128xi32, #tpu.memory_space<vmem>>, vector<16xi32>,
    %get3A_45 = vector.shape_cast %get3A_44 : vector<16xi32> to vector<16xi32>
    %and3A_46 = arith.constant 1 : i32
    %and3A_47 = vector.broadcast %and3A_46 : i32 to vector<16xi32>
    %and3A_48 = arith.andi %get3A_45, %and3A_47 : vector<16xi32>
    %shift_left3A_49 = arith.constant 6 : i32
    %shift_left3A_50 = vector.broadcast %shift_left3A_49 : i32 to vector<16xi32>
    %shift_left3A_51 = arith.shli %and3A_48, %shift_left3A_50 : vector<16xi32>
    %swap3A_52 = arith.constant 32 : index
    %swap3A_53 = tpu.vector_load %arg8[%swap3A_52] {strides = array<i32>} : memref<144xi32, #tpu.memory_space<vmem>>, vector<16xi32>,
    %swap3A_54 = vector.shape_cast %swap3A_53 : vector<16xi32> to vector<16xi32>
    %swap3A_55 = vector.shape_cast %shift_left3A_51 : vector<16xi32> to vector<16xi32>
    tpu.vector_store %arg8[%swap3A_52], %swap3A_55 {strides = array<i32>} : memref<144xi32, #tpu.memory_space<vmem>>, vector<16xi32>,
    %shift_right_arithmetic3A_56 = arith.constant 1 : i32
    %shift_right_arithmetic3A_57 = vector.broadcast %shift_right_arithmetic3A_56 : i32 to vector<16xi32>
    %shift_right_arithmetic3A_58 = arith.shrsi %get3A_45, %shift_right_arithmetic3A_57 : vector<16xi32>
    %swap3A_59 = arith.constant 32 : index
    %swap3A_60 = tpu.vector_load %arg6[%swap3A_59] {strides = array<i32>} : memref<128xi32, #tpu.memory_space<vmem>>, vector<16xi32>,
    %swap3A_61 = vector.shape_cast %swap3A_60 : vector<16xi32> to vector<16xi32>
    %swap3A_62 = vector.shape_cast %shift_right_arithmetic3A_58 : vector<16xi32> to vector<16xi32>
    tpu.vector_store %arg6[%swap3A_59], %swap3A_62 {strides = array<i32>} : memref<128xi32, #tpu.memory_space<vmem>>, vector<16xi32>,
    %get3A_63 = arith.constant 48 : index
    %get3A_64 = tpu.vector_load %arg6[%get3A_63] {strides = array<i32>} : memref<128xi32, #tpu.memory_space<vmem>>, vector<16xi32>,
    %get3A_65 = vector.shape_cast %get3A_64 : vector<16xi32> to vector<16xi32>
    %and3A_66 = arith.constant 1 : i32
    %and3A_67 = vector.broadcast %and3A_66 : i32 to vector<16xi32>
    %and3A_68 = arith.andi %get3A_65, %and3A_67 : vector<16xi32>
    %shift_left3A_69 = arith.constant 6 : i32
    %shift_left3A_70 = vector.broadcast %shift_left3A_69 : i32 to vector<16xi32>
    %shift_left3A_71 = arith.shli %and3A_68, %shift_left3A_70 : vector<16xi32>
    %swap3A_72 = arith.constant 48 : index
    %swap3A_73 = tpu.vector_load %arg8[%swap3A_72] {strides = array<i32>} : memref<144xi32, #tpu.memory_space<vmem>>, vector<16xi32>,
    %swap3A_74 = vector.shape_cast %swap3A_73 : vector<16xi32> to vector<16xi32>
    %swap3A_75 = vector.shape_cast %shift_left3A_71 : vector<16xi32> to vector<16xi32>
    tpu.vector_store %arg8[%swap3A_72], %swap3A_75 {strides = array<i32>} : memref<144xi32, #tpu.memory_space<vmem>>, vector<16xi32>,
    %shift_right_arithmetic3A_76 = arith.constant 1 : i32
    %shift_right_arithmetic3A_77 = vector.broadcast %shift_right_arithmetic3A_76 : i32 to vector<16xi32>
    %shift_right_arithmetic3A_78 = arith.shrsi %get3A_65, %shift_right_arithmetic3A_77 : vector<16xi32>
    %swap3A_79 = arith.constant 48 : index
    %swap3A_80 = tpu.vector_load %arg6[%swap3A_79] {strides = array<i32>} : memref<128xi32, #tpu.memory_space<vmem>>, vector<16xi32>,
    %swap3A_81 = vector.shape_cast %swap3A_80 : vector<16xi32> to vector<16xi32>
    %swap3A_82 = vector.shape_cast %shift_right_arithmetic3A_78 : vector<16xi32> to vector<16xi32>
    tpu.vector_store %arg6[%swap3A_79], %swap3A_82 {strides = array<i32>} : memref<128xi32, #tpu.memory_space<vmem>>, vector<16xi32>,
    %get3A_83 = arith.constant 64 : index
    %get3A_84 = tpu.vector_load %arg6[%get3A_83] {strides = array<i32>} : memref<128xi32, #tpu.memory_space<vmem>>, vector<16xi32>,
    %get3A_85 = vector.shape_cast %get3A_84 : vector<16xi32> to vector<16xi32>
    %and3A_86 = arith.constant 1 : i32
    %and3A_87 = vector.broadcast %and3A_86 : i32 to vector<16xi32>
    %and3A_88 = arith.andi %get3A_85, %and3A_87 : vector<16xi32>
    %shift_left3A_89 = arith.constant 6 : i32
    %shift_left3A_90 = vector.broadcast %shift_left3A_89 : i32 to vector<16xi32>
    %shift_left3A_91 = arith.shli %and3A_88, %shift_left3A_90 : vector<16xi32>
    %swap3A_92 = arith.constant 64 : index
    %swap3A_93 = tpu.vector_load %arg8[%swap3A_92] {strides = array<i32>} : memref<144xi32, #tpu.memory_space<vmem>>, vector<16xi32>,
    %swap3A_94 = vector.shape_cast %swap3A_93 : vector<16xi32> to vector<16xi32>
    %swap3A_95 = vector.shape_cast %shift_left3A_91 : vector<16xi32> to vector<16xi32>
    tpu.vector_store %arg8[%swap3A_92], %swap3A_95 {strides = array<i32>} : memref<144xi32, #tpu.memory_space<vmem>>, vector<16xi32>,
    %shift_right_arithmetic3A_96 = arith.constant 1 : i32
    %shift_right_arithmetic3A_97 = vector.broadcast %shift_right_arithmetic3A_96 : i32 to vector<16xi32>
    %shift_right_arithmetic3A_98 = arith.shrsi %get3A_85, %shift_right_arithmetic3A_97 : vector<16xi32>
    %swap3A_99 = arith.constant 64 : index
    %swap3A_100 = tpu.vector_load %arg6[%swap3A_99] {strides = array<i32>} : memref<128xi32, #tpu.memory_space<vmem>>, vector<16xi32>,
    %swap3A_101 = vector.shape_cast %swap3A_100 : vector<16xi32> to vector<16xi32>
    %swap3A_102 = vector.shape_cast %shift_right_arithmetic3A_98 : vector<16xi32> to vector<16xi32>
    tpu.vector_store %arg6[%swap3A_99], %swap3A_102 {strides = array<i32>} : memref<128xi32, #tpu.memory_space<vmem>>, vector<16xi32>,
    %get3A_103 = arith.constant 80 : index
    %get3A_104 = tpu.vector_load %arg6[%get3A_103] {strides = array<i32>} : memref<128xi32, #tpu.memory_space<vmem>>, vector<16xi32>,
    %get3A_105 = vector.shape_cast %get3A_104 : vector<16xi32> to vector<16xi32>
    %and3A_106 = arith.constant 1 : i32
    %and3A_107 = vector.broadcast %and3A_106 : i32 to vector<16xi32>
    %and3A_108 = arith.andi %get3A_105, %and3A_107 : vector<16xi32>
    %shift_left3A_109 = arith.constant 6 : i32
    %shift_left3A_110 = vector.broadcast %shift_left3A_109 : i32 to vector<16xi32>
    %shift_left3A_111 = arith.shli %and3A_108, %shift_left3A_110 : vector<16xi32>
    %swap3A_112 = arith.constant 80 : index
    %swap3A_113 = tpu.vector_load %arg8[%swap3A_112] {strides = array<i32>} : memref<144xi32, #tpu.memory_space<vmem>>, vector<16xi32>,
    %swap3A_114 = vector.shape_cast %swap3A_113 : vector<16xi32> to vector<16xi32>
    %swap3A_115 = vector.shape_cast %shift_left3A_111 : vector<16xi32> to vector<16xi32>
    tpu.vector_store %arg8[%swap3A_112], %swap3A_115 {strides = array<i32>} : memref<144xi32, #tpu.memory_space<vmem>>, vector<16xi32>,
    %shift_right_arithmetic3A_116 = arith.constant 1 : i32
    %shift_right_arithmetic3A_117 = vector.broadcast %shift_right_arithmetic3A_116 : i32 to vector<16xi32>
    %shift_right_arithmetic3A_118 = arith.shrsi %get3A_105, %shift_right_arithmetic3A_117 : vector<16xi32>
    %swap3A_119 = arith.constant 80 : index
    %swap3A_120 = tpu.vector_load %arg6[%swap3A_119] {strides = array<i32>} : memref<128xi32, #tpu.memory_space<vmem>>, vector<16xi32>,
    %swap3A_121 = vector.shape_cast %swap3A_120 : vector<16xi32> to vector<16xi32>
    %swap3A_122 = vector.shape_cast %shift_right_arithmetic3A_118 : vector<16xi32> to vector<16xi32>
    tpu.vector_store %arg6[%swap3A_119], %swap3A_122 {strides = array<i32>} : memref<128xi32, #tpu.memory_space<vmem>>, vector<16xi32>,
    %get3A_123 = arith.constant 96 : index
    %get3A_124 = tpu.vector_load %arg6[%get3A_123] {strides = array<i32>} : memref<128xi32, #tpu.memory_space<vmem>>, vector<16xi32>,
    %get3A_125 = vector.shape_cast %get3A_124 : vector<16xi32> to vector<16xi32>
    %and3A_126 = arith.constant 1 : i32
    %and3A_127 = vector.broadcast %and3A_126 : i32 to vector<16xi32>
    %and3A_128 = arith.andi %get3A_125, %and3A_127 : vector<16xi32>
    %shift_left3A_129 = arith.constant 6 : i32
    %shift_left3A_130 = vector.broadcast %shift_left3A_129 : i32 to vector<16xi32>
    %shift_left3A_131 = arith.shli %and3A_128, %shift_left3A_130 : vector<16xi32>
    %swap3A_132 = arith.constant 96 : index
    %swap3A_133 = tpu.vector_load %arg8[%swap3A_132] {strides = array<i32>} : memref<144xi32, #tpu.memory_space<vmem>>, vector<16xi32>,
    %swap3A_134 = vector.shape_cast %swap3A_133 : vector<16xi32> to vector<16xi32>
    %swap3A_135 = vector.shape_cast %shift_left3A_131 : vector<16xi32> to vector<16xi32>
    tpu.vector_store %arg8[%swap3A_132], %swap3A_135 {strides = array<i32>} : memref<144xi32, #tpu.memory_space<vmem>>, vector<16xi32>,
    %shift_right_arithmetic3A_136 = arith.constant 1 : i32
    %shift_right_arithmetic3A_137 = vector.broadcast %shift_right_arithmetic3A_136 : i32 to vector<16xi32>
    %shift_right_arithmetic3A_138 = arith.shrsi %get3A_125, %shift_right_arithmetic3A_137 : vector<16xi32>
    %swap3A_139 = arith.constant 96 : index
    %swap3A_140 = tpu.vector_load %arg6[%swap3A_139] {strides = array<i32>} : memref<128xi32, #tpu.memory_space<vmem>>, vector<16xi32>,
    %swap3A_141 = vector.shape_cast %swap3A_140 : vector<16xi32> to vector<16xi32>
    %swap3A_142 = vector.shape_cast %shift_right_arithmetic3A_138 : vector<16xi32> to vector<16xi32>
    tpu.vector_store %arg6[%swap3A_139], %swap3A_142 {strides = array<i32>} : memref<128xi32, #tpu.memory_space<vmem>>, vector<16xi32>,
    %get3A_143 = arith.constant 112 : index
    %get3A_144 = tpu.vector_load %arg6[%get3A_143] {strides = array<i32>} : memref<128xi32, #tpu.memory_space<vmem>>, vector<16xi32>,
    %get3A_145 = vector.shape_cast %get3A_144 : vector<16xi32> to vector<16xi32>
    %and3A_146 = arith.constant 1 : i32
    %and3A_147 = vector.broadcast %and3A_146 : i32 to vector<16xi32>
    %and3A_148 = arith.andi %get3A_145, %and3A_147 : vector<16xi32>
    %shift_left3A_149 = arith.constant 6 : i32
    %shift_left3A_150 = vector.broadcast %shift_left3A_149 : i32 to vector<16xi32>
    %shift_left3A_151 = arith.shli %and3A_148, %shift_left3A_150 : vector<16xi32>
    %swap3A_152 = arith.constant 112 : index
    %swap3A_153 = tpu.vector_load %arg8[%swap3A_152] {strides = array<i32>} : memref<144xi32, #tpu.memory_space<vmem>>, vector<16xi32>,
    %swap3A_154 = vector.shape_cast %swap3A_153 : vector<16xi32> to vector<16xi32>
    %swap3A_155 = vector.shape_cast %shift_left3A_151 : vector<16xi32> to vector<16xi32>
    tpu.vector_store %arg8[%swap3A_152], %swap3A_155 {strides = array<i32>} : memref<144xi32, #tpu.memory_space<vmem>>, vector<16xi32>,
    %shift_right_arithmetic3A_156 = arith.constant 1 : i32
    %shift_right_arithmetic3A_157 = vector.broadcast %shift_right_arithmetic3A_156 : i32 to vector<16xi32>
    %shift_right_arithmetic3A_158 = arith.shrsi %get3A_145, %shift_right_arithmetic3A_157 : vector<16xi32>
    %swap3A_159 = arith.constant 112 : index
    %swap3A_160 = tpu.vector_load %arg6[%swap3A_159] {strides = array<i32>} : memref<128xi32, #tpu.memory_space<vmem>>, vector<16xi32>,
    %swap3A_161 = vector.shape_cast %swap3A_160 : vector<16xi32> to vector<16xi32>
    %swap3A_162 = vector.shape_cast %shift_right_arithmetic3A_158 : vector<16xi32> to vector<16xi32>
    tpu.vector_store %arg6[%swap3A_159], %swap3A_162 {strides = array<i32>} : memref<128xi32, #tpu.memory_space<vmem>>, vector<16xi32>,
    %dma_start3A = arith.constant 0 : i32
    %dma_start3A_163 = arith.constant 0 : i32
    %dma_start3A_164 = tpu.memref_slice %arg10[%dma_start3A, %dma_start3A_163] : memref<128x128xf32, #tpu.memory_space<vmem>> -> memref<128x128xf32, #tpu.memory_space<vmem>>
    %dma_start3A_165 = arith.constant 0 : i32
    %dma_start3A_166 = tpu.memref_slice %arg6[%dma_start3A_165] : memref<128xi32, #tpu.memory_space<vmem>> -> memref<128xi32, #tpu.memory_space<vmem>>
    %dma_start3A_167 = arith.constant 0 : i32
    %dma_start3A_168 = arith.constant 0 : i32
    %dma_start3A_169 = tpu.memref_slice %arg3[%dma_start3A_167, %dma_start3A_168] : memref<500000x128xf32, #tpu.memory_space<hbm>> -> memref<500000x128xf32, #tpu.memory_space<hbm>>
    tpu.enqueue_indirect_dma source(%dma_start3A_169 : memref<500000x128xf32, #tpu.memory_space<hbm>>) target(%dma_start3A_164 : memref<128x128xf32, #tpu.memory_space<vmem>>) offsets(%dma_start3A_166 : memref<128xi32, #tpu.memory_space<vmem>>) semaphore(%arg15 : memref<!tpu.dma_semaphore, #tpu.memory_space<semaphore_mem>>)
    %add3A_170 = arith.constant 128 : i32
    %add3A_171 = arith.addi %mul3A_2, %add3A_170 : i32
    "tpu.region"() ({
      %run_scoped3A = tpu.sem_alloc : memref<!tpu.dma_semaphore, #tpu.memory_space<semaphore_mem>>
      %dma_start3A_355 = tpu.memref_slice %arg2[%add3A_171] : memref<819200xi32, #tpu.memory_space<hbm>> -> memref<128xi32, #tpu.memory_space<hbm>>
      %dma_start3A_356 = tpu.memref_slice %arg2[%add3A_171] : memref<819200xi32, #tpu.memory_space<hbm>> -> memref<128xi32, #tpu.memory_space<hbm>>
      tpu.enqueue_dma source(%dma_start3A_356 : memref<128xi32, #tpu.memory_space<hbm>>) target(%arg7 : memref<128xi32, #tpu.memory_space<vmem>>) target_semaphore(%run_scoped3A : memref<!tpu.dma_semaphore, #tpu.memory_space<semaphore_mem>>)
      %dma_wait3A_357 = tpu.memref_slice %arg2[%add3A_171] : memref<819200xi32, #tpu.memory_space<hbm>> -> memref<128xi32, #tpu.memory_space<hbm>>
      %dma_wait3A_358 = tpu.memref_slice %arg2[%add3A_171] : memref<819200xi32, #tpu.memory_space<hbm>> -> memref<128xi32, #tpu.memory_space<hbm>>
      tpu.wait_dma2 semaphore(%run_scoped3A : memref<!tpu.dma_semaphore, #tpu.memory_space<semaphore_mem>>) src(%dma_wait3A_358 : memref<128xi32, #tpu.memory_space<hbm>>) dst(%arg7 : memref<128xi32, #tpu.memory_space<vmem>>)
      tpu.yield
    }) : () -> ()
    %get3A_172 = arith.constant 0 : index
    %get3A_173 = tpu.vector_load %arg7[%get3A_172] {strides = array<i32>} : memref<128xi32, #tpu.memory_space<vmem>>, vector<16xi32>,
    %get3A_174 = vector.shape_cast %get3A_173 : vector<16xi32> to vector<16xi32>
    %and3A_175 = arith.constant 1 : i32
    %and3A_176 = vector.broadcast %and3A_175 : i32 to vector<16xi32>
    %and3A_177 = arith.andi %get3A_174, %and3A_176 : vector<16xi32>
    %shift_left3A_178 = arith.constant 6 : i32
    %shift_left3A_179 = vector.broadcast %shift_left3A_178 : i32 to vector<16xi32>
    %shift_left3A_180 = arith.shli %and3A_177, %shift_left3A_179 : vector<16xi32>
    %swap3A_181 = arith.constant 0 : index
    %swap3A_182 = tpu.vector_load %arg9[%swap3A_181] {strides = array<i32>} : memref<144xi32, #tpu.memory_space<vmem>>, vector<16xi32>,
    %swap3A_183 = vector.shape_cast %swap3A_182 : vector<16xi32> to vector<16xi32>
    %swap3A_184 = vector.shape_cast %shift_left3A_180 : vector<16xi32> to vector<16xi32>
    tpu.vector_store %arg9[%swap3A_181], %swap3A_184 {strides = array<i32>} : memref<144xi32, #tpu.memory_space<vmem>>, vector<16xi32>,
    %shift_right_arithmetic3A_185 = arith.constant 1 : i32
    %shift_right_arithmetic3A_186 = vector.broadcast %shift_right_arithmetic3A_185 : i32 to vector<16xi32>
    %shift_right_arithmetic3A_187 = arith.shrsi %get3A_174, %shift_right_arithmetic3A_186 : vector<16xi32>
    %swap3A_188 = arith.constant 0 : index
    %swap3A_189 = tpu.vector_load %arg7[%swap3A_188] {strides = array<i32>} : memref<128xi32, #tpu.memory_space<vmem>>, vector<16xi32>,
    %swap3A_190 = vector.shape_cast %swap3A_189 : vector<16xi32> to vector<16xi32>
    %swap3A_191 = vector.shape_cast %shift_right_arithmetic3A_187 : vector<16xi32> to vector<16xi32>
    tpu.vector_store %arg7[%swap3A_188], %swap3A_191 {strides = array<i32>} : memref<128xi32, #tpu.memory_space<vmem>>, vector<16xi32>,
    %get3A_192 = arith.constant 16 : index
    %get3A_193 = tpu.vector_load %arg7[%get3A_192] {strides = array<i32>} : memref<128xi32, #tpu.memory_space<vmem>>, vector<16xi32>,
    %get3A_194 = vector.shape_cast %get3A_193 : vector<16xi32> to vector<16xi32>
    %and3A_195 = arith.constant 1 : i32
    %and3A_196 = vector.broadcast %and3A_195 : i32 to vector<16xi32>
    %and3A_197 = arith.andi %get3A_194, %and3A_196 : vector<16xi32>
    %shift_left3A_198 = arith.constant 6 : i32
    %shift_left3A_199 = vector.broadcast %shift_left3A_198 : i32 to vector<16xi32>
    %shift_left3A_200 = arith.shli %and3A_197, %shift_left3A_199 : vector<16xi32>
    %swap3A_201 = arith.constant 16 : index
    %swap3A_202 = tpu.vector_load %arg9[%swap3A_201] {strides = array<i32>} : memref<144xi32, #tpu.memory_space<vmem>>, vector<16xi32>,
    %swap3A_203 = vector.shape_cast %swap3A_202 : vector<16xi32> to vector<16xi32>
    %swap3A_204 = vector.shape_cast %shift_left3A_200 : vector<16xi32> to vector<16xi32>
    tpu.vector_store %arg9[%swap3A_201], %swap3A_204 {strides = array<i32>} : memref<144xi32, #tpu.memory_space<vmem>>, vector<16xi32>,
    %shift_right_arithmetic3A_205 = arith.constant 1 : i32
    %shift_right_arithmetic3A_206 = vector.broadcast %shift_right_arithmetic3A_205 : i32 to vector<16xi32>
    %shift_right_arithmetic3A_207 = arith.shrsi %get3A_194, %shift_right_arithmetic3A_206 : vector<16xi32>
    %swap3A_208 = arith.constant 16 : index
    %swap3A_209 = tpu.vector_load %arg7[%swap3A_208] {strides = array<i32>} : memref<128xi32, #tpu.memory_space<vmem>>, vector<16xi32>,
    %swap3A_210 = vector.shape_cast %swap3A_209 : vector<16xi32> to vector<16xi32>
    %swap3A_211 = vector.shape_cast %shift_right_arithmetic3A_207 : vector<16xi32> to vector<16xi32>
    tpu.vector_store %arg7[%swap3A_208], %swap3A_211 {strides = array<i32>} : memref<128xi32, #tpu.memory_space<vmem>>, vector<16xi32>,
    %get3A_212 = arith.constant 32 : index
    %get3A_213 = tpu.vector_load %arg7[%get3A_212] {strides = array<i32>} : memref<128xi32, #tpu.memory_space<vmem>>, vector<16xi32>,
    %get3A_214 = vector.shape_cast %get3A_213 : vector<16xi32> to vector<16xi32>
    %and3A_215 = arith.constant 1 : i32
    %and3A_216 = vector.broadcast %and3A_215 : i32 to vector<16xi32>
    %and3A_217 = arith.andi %get3A_214, %and3A_216 : vector<16xi32>
    %shift_left3A_218 = arith.constant 6 : i32
    %shift_left3A_219 = vector.broadcast %shift_left3A_218 : i32 to vector<16xi32>
    %shift_left3A_220 = arith.shli %and3A_217, %shift_left3A_219 : vector<16xi32>
    %swap3A_221 = arith.constant 32 : index
    %swap3A_222 = tpu.vector_load %arg9[%swap3A_221] {strides = array<i32>} : memref<144xi32, #tpu.memory_space<vmem>>, vector<16xi32>,
    %swap3A_223 = vector.shape_cast %swap3A_222 : vector<16xi32> to vector<16xi32>
    %swap3A_224 = vector.shape_cast %shift_left3A_220 : vector<16xi32> to vector<16xi32>
    tpu.vector_store %arg9[%swap3A_221], %swap3A_224 {strides = array<i32>} : memref<144xi32, #tpu.memory_space<vmem>>, vector<16xi32>,
    %shift_right_arithmetic3A_225 = arith.constant 1 : i32
    %shift_right_arithmetic3A_226 = vector.broadcast %shift_right_arithmetic3A_225 : i32 to vector<16xi32>
    %shift_right_arithmetic3A_227 = arith.shrsi %get3A_214, %shift_right_arithmetic3A_226 : vector<16xi32>
    %swap3A_228 = arith.constant 32 : index
    %swap3A_229 = tpu.vector_load %arg7[%swap3A_228] {strides = array<i32>} : memref<128xi32, #tpu.memory_space<vmem>>, vector<16xi32>,
    %swap3A_230 = vector.shape_cast %swap3A_229 : vector<16xi32> to vector<16xi32>
    %swap3A_231 = vector.shape_cast %shift_right_arithmetic3A_227 : vector<16xi32> to vector<16xi32>
    tpu.vector_store %arg7[%swap3A_228], %swap3A_231 {strides = array<i32>} : memref<128xi32, #tpu.memory_space<vmem>>, vector<16xi32>,
    %get3A_232 = arith.constant 48 : index
    %get3A_233 = tpu.vector_load %arg7[%get3A_232] {strides = array<i32>} : memref<128xi32, #tpu.memory_space<vmem>>, vector<16xi32>,
    %get3A_234 = vector.shape_cast %get3A_233 : vector<16xi32> to vector<16xi32>
    %and3A_235 = arith.constant 1 : i32
    %and3A_236 = vector.broadcast %and3A_235 : i32 to vector<16xi32>
    %and3A_237 = arith.andi %get3A_234, %and3A_236 : vector<16xi32>
    %shift_left3A_238 = arith.constant 6 : i32
    %shift_left3A_239 = vector.broadcast %shift_left3A_238 : i32 to vector<16xi32>
    %shift_left3A_240 = arith.shli %and3A_237, %shift_left3A_239 : vector<16xi32>
    %swap3A_241 = arith.constant 48 : index
    %swap3A_242 = tpu.vector_load %arg9[%swap3A_241] {strides = array<i32>} : memref<144xi32, #tpu.memory_space<vmem>>, vector<16xi32>,
    %swap3A_243 = vector.shape_cast %swap3A_242 : vector<16xi32> to vector<16xi32>
    %swap3A_244 = vector.shape_cast %shift_left3A_240 : vector<16xi32> to vector<16xi32>
    tpu.vector_store %arg9[%swap3A_241], %swap3A_244 {strides = array<i32>} : memref<144xi32, #tpu.memory_space<vmem>>, vector<16xi32>,
    %shift_right_arithmetic3A_245 = arith.constant 1 : i32
    %shift_right_arithmetic3A_246 = vector.broadcast %shift_right_arithmetic3A_245 : i32 to vector<16xi32>
    %shift_right_arithmetic3A_247 = arith.shrsi %get3A_234, %shift_right_arithmetic3A_246 : vector<16xi32>
    %swap3A_248 = arith.constant 48 : index
    %swap3A_249 = tpu.vector_load %arg7[%swap3A_248] {strides = array<i32>} : memref<128xi32, #tpu.memory_space<vmem>>, vector<16xi32>,
    %swap3A_250 = vector.shape_cast %swap3A_249 : vector<16xi32> to vector<16xi32>
    %swap3A_251 = vector.shape_cast %shift_right_arithmetic3A_247 : vector<16xi32> to vector<16xi32>
    tpu.vector_store %arg7[%swap3A_248], %swap3A_251 {strides = array<i32>} : memref<128xi32, #tpu.memory_space<vmem>>, vector<16xi32>,
    %get3A_252 = arith.constant 64 : index
    %get3A_253 = tpu.vector_load %arg7[%get3A_252] {strides = array<i32>} : memref<128xi32, #tpu.memory_space<vmem>>, vector<16xi32>,
    %get3A_254 = vector.shape_cast %get3A_253 : vector<16xi32> to vector<16xi32>
    %and3A_255 = arith.constant 1 : i32
    %and3A_256 = vector.broadcast %and3A_255 : i32 to vector<16xi32>
    %and3A_257 = arith.andi %get3A_254, %and3A_256 : vector<16xi32>
    %shift_left3A_258 = arith.constant 6 : i32
    %shift_left3A_259 = vector.broadcast %shift_left3A_258 : i32 to vector<16xi32>
    %shift_left3A_260 = arith.shli %and3A_257, %shift_left3A_259 : vector<16xi32>
    %swap3A_261 = arith.constant 64 : index
    %swap3A_262 = tpu.vector_load %arg9[%swap3A_261] {strides = array<i32>} : memref<144xi32, #tpu.memory_space<vmem>>, vector<16xi32>,
    %swap3A_263 = vector.shape_cast %swap3A_262 : vector<16xi32> to vector<16xi32>
    %swap3A_264 = vector.shape_cast %shift_left3A_260 : vector<16xi32> to vector<16xi32>
    tpu.vector_store %arg9[%swap3A_261], %swap3A_264 {strides = array<i32>} : memref<144xi32, #tpu.memory_space<vmem>>, vector<16xi32>,
    %shift_right_arithmetic3A_265 = arith.constant 1 : i32
    %shift_right_arithmetic3A_266 = vector.broadcast %shift_right_arithmetic3A_265 : i32 to vector<16xi32>
    %shift_right_arithmetic3A_267 = arith.shrsi %get3A_254, %shift_right_arithmetic3A_266 : vector<16xi32>
    %swap3A_268 = arith.constant 64 : index
    %swap3A_269 = tpu.vector_load %arg7[%swap3A_268] {strides = array<i32>} : memref<128xi32, #tpu.memory_space<vmem>>, vector<16xi32>,
    %swap3A_270 = vector.shape_cast %swap3A_269 : vector<16xi32> to vector<16xi32>
    %swap3A_271 = vector.shape_cast %shift_right_arithmetic3A_267 : vector<16xi32> to vector<16xi32>
    tpu.vector_store %arg7[%swap3A_268], %swap3A_271 {strides = array<i32>} : memref<128xi32, #tpu.memory_space<vmem>>, vector<16xi32>,
    %get3A_272 = arith.constant 80 : index
    %get3A_273 = tpu.vector_load %arg7[%get3A_272] {strides = array<i32>} : memref<128xi32, #tpu.memory_space<vmem>>, vector<16xi32>,
    %get3A_274 = vector.shape_cast %get3A_273 : vector<16xi32> to vector<16xi32>
    %and3A_275 = arith.constant 1 : i32
    %and3A_276 = vector.broadcast %and3A_275 : i32 to vector<16xi32>
    %and3A_277 = arith.andi %get3A_274, %and3A_276 : vector<16xi32>
    %shift_left3A_278 = arith.constant 6 : i32
    %shift_left3A_279 = vector.broadcast %shift_left3A_278 : i32 to vector<16xi32>
    %shift_left3A_280 = arith.shli %and3A_277, %shift_left3A_279 : vector<16xi32>
    %swap3A_281 = arith.constant 80 : index
    %swap3A_282 = tpu.vector_load %arg9[%swap3A_281] {strides = array<i32>} : memref<144xi32, #tpu.memory_space<vmem>>, vector<16xi32>,
    %swap3A_283 = vector.shape_cast %swap3A_282 : vector<16xi32> to vector<16xi32>
    %swap3A_284 = vector.shape_cast %shift_left3A_280 : vector<16xi32> to vector<16xi32>
    tpu.vector_store %arg9[%swap3A_281], %swap3A_284 {strides = array<i32>} : memref<144xi32, #tpu.memory_space<vmem>>, vector<16xi32>,
    %shift_right_arithmetic3A_285 = arith.constant 1 : i32
    %shift_right_arithmetic3A_286 = vector.broadcast %shift_right_arithmetic3A_285 : i32 to vector<16xi32>
    %shift_right_arithmetic3A_287 = arith.shrsi %get3A_274, %shift_right_arithmetic3A_286 : vector<16xi32>
    %swap3A_288 = arith.constant 80 : index
    %swap3A_289 = tpu.vector_load %arg7[%swap3A_288] {strides = array<i32>} : memref<128xi32, #tpu.memory_space<vmem>>, vector<16xi32>,
    %swap3A_290 = vector.shape_cast %swap3A_289 : vector<16xi32> to vector<16xi32>
    %swap3A_291 = vector.shape_cast %shift_right_arithmetic3A_287 : vector<16xi32> to vector<16xi32>
    tpu.vector_store %arg7[%swap3A_288], %swap3A_291 {strides = array<i32>} : memref<128xi32, #tpu.memory_space<vmem>>, vector<16xi32>,
    %get3A_292 = arith.constant 96 : index
    %get3A_293 = tpu.vector_load %arg7[%get3A_292] {strides = array<i32>} : memref<128xi32, #tpu.memory_space<vmem>>, vector<16xi32>,
    %get3A_294 = vector.shape_cast %get3A_293 : vector<16xi32> to vector<16xi32>
    %and3A_295 = arith.constant 1 : i32
    %and3A_296 = vector.broadcast %and3A_295 : i32 to vector<16xi32>
    %and3A_297 = arith.andi %get3A_294, %and3A_296 : vector<16xi32>
    %shift_left3A_298 = arith.constant 6 : i32
    %shift_left3A_299 = vector.broadcast %shift_left3A_298 : i32 to vector<16xi32>
    %shift_left3A_300 = arith.shli %and3A_297, %shift_left3A_299 : vector<16xi32>
    %swap3A_301 = arith.constant 96 : index
    %swap3A_302 = tpu.vector_load %arg9[%swap3A_301] {strides = array<i32>} : memref<144xi32, #tpu.memory_space<vmem>>, vector<16xi32>,
    %swap3A_303 = vector.shape_cast %swap3A_302 : vector<16xi32> to vector<16xi32>
    %swap3A_304 = vector.shape_cast %shift_left3A_300 : vector<16xi32> to vector<16xi32>
    tpu.vector_store %arg9[%swap3A_301], %swap3A_304 {strides = array<i32>} : memref<144xi32, #tpu.memory_space<vmem>>, vector<16xi32>,
    %shift_right_arithmetic3A_305 = arith.constant 1 : i32
    %shift_right_arithmetic3A_306 = vector.broadcast %shift_right_arithmetic3A_305 : i32 to vector<16xi32>
    %shift_right_arithmetic3A_307 = arith.shrsi %get3A_294, %shift_right_arithmetic3A_306 : vector<16xi32>
    %swap3A_308 = arith.constant 96 : index
    %swap3A_309 = tpu.vector_load %arg7[%swap3A_308] {strides = array<i32>} : memref<128xi32, #tpu.memory_space<vmem>>, vector<16xi32>,
    %swap3A_310 = vector.shape_cast %swap3A_309 : vector<16xi32> to vector<16xi32>
    %swap3A_311 = vector.shape_cast %shift_right_arithmetic3A_307 : vector<16xi32> to vector<16xi32>
    tpu.vector_store %arg7[%swap3A_308], %swap3A_311 {strides = array<i32>} : memref<128xi32, #tpu.memory_space<vmem>>, vector<16xi32>,
    %get3A_312 = arith.constant 112 : index
    %get3A_313 = tpu.vector_load %arg7[%get3A_312] {strides = array<i32>} : memref<128xi32, #tpu.memory_space<vmem>>, vector<16xi32>,
    %get3A_314 = vector.shape_cast %get3A_313 : vector<16xi32> to vector<16xi32>
    %and3A_315 = arith.constant 1 : i32
    %and3A_316 = vector.broadcast %and3A_315 : i32 to vector<16xi32>
    %and3A_317 = arith.andi %get3A_314, %and3A_316 : vector<16xi32>
    %shift_left3A_318 = arith.constant 6 : i32
    %shift_left3A_319 = vector.broadcast %shift_left3A_318 : i32 to vector<16xi32>
    %shift_left3A_320 = arith.shli %and3A_317, %shift_left3A_319 : vector<16xi32>
    %swap3A_321 = arith.constant 112 : index
    %swap3A_322 = tpu.vector_load %arg9[%swap3A_321] {strides = array<i32>} : memref<144xi32, #tpu.memory_space<vmem>>, vector<16xi32>,
    %swap3A_323 = vector.shape_cast %swap3A_322 : vector<16xi32> to vector<16xi32>
    %swap3A_324 = vector.shape_cast %shift_left3A_320 : vector<16xi32> to vector<16xi32>
    tpu.vector_store %arg9[%swap3A_321], %swap3A_324 {strides = array<i32>} : memref<144xi32, #tpu.memory_space<vmem>>, vector<16xi32>,
    %shift_right_arithmetic3A_325 = arith.constant 1 : i32
    %shift_right_arithmetic3A_326 = vector.broadcast %shift_right_arithmetic3A_325 : i32 to vector<16xi32>
    %shift_right_arithmetic3A_327 = arith.shrsi %get3A_314, %shift_right_arithmetic3A_326 : vector<16xi32>
    %swap3A_328 = arith.constant 112 : index
    %swap3A_329 = tpu.vector_load %arg7[%swap3A_328] {strides = array<i32>} : memref<128xi32, #tpu.memory_space<vmem>>, vector<16xi32>,
    %swap3A_330 = vector.shape_cast %swap3A_329 : vector<16xi32> to vector<16xi32>
    %swap3A_331 = vector.shape_cast %shift_right_arithmetic3A_327 : vector<16xi32> to vector<16xi32>
    tpu.vector_store %arg7[%swap3A_328], %swap3A_331 {strides = array<i32>} : memref<128xi32, #tpu.memory_space<vmem>>, vector<16xi32>,
    %dma_start3A_332 = arith.constant 0 : i32
    %dma_start3A_333 = arith.constant 0 : i32
    %dma_start3A_334 = tpu.memref_slice %arg11[%dma_start3A_332, %dma_start3A_333] : memref<128x128xf32, #tpu.memory_space<vmem>> -> memref<128x128xf32, #tpu.memory_space<vmem>>
    %dma_start3A_335 = arith.constant 0 : i32
    %dma_start3A_336 = tpu.memref_slice %arg7[%dma_start3A_335] : memref<128xi32, #tpu.memory_space<vmem>> -> memref<128xi32, #tpu.memory_space<vmem>>
    %dma_start3A_337 = arith.constant 0 : i32
    %dma_start3A_338 = arith.constant 0 : i32
    %dma_start3A_339 = tpu.memref_slice %arg3[%dma_start3A_337, %dma_start3A_338] : memref<500000x128xf32, #tpu.memory_space<hbm>> -> memref<500000x128xf32, #tpu.memory_space<hbm>>
    tpu.enqueue_indirect_dma source(%dma_start3A_339 : memref<500000x128xf32, #tpu.memory_space<hbm>>) target(%dma_start3A_334 : memref<128x128xf32, #tpu.memory_space<vmem>>) offsets(%dma_start3A_336 : memref<128xi32, #tpu.memory_space<vmem>>) semaphore(%arg16 : memref<!tpu.dma_semaphore, #tpu.memory_space<semaphore_mem>>)
    %scan3A = arith.constant 0 : i32
    %scan3A_340 = arith.constant 100 : i32
    %scan3A_341 = arith.addi %scan3A, %scan3A_340 : i32
    %scan3A_342 = arith.constant 1 : i32
    scf.for %scan3A_355 = %scan3A to %scan3A_341 step %scan3A_342  : i32 {
      %mul3A_356 = arith.constant 1 : i32
      %mul3A_357 = arith.muli %scan3A_355, %mul3A_356 : i32
      %add3A_358 = arith.constant 0 : i32
      %add3A_359 = arith.addi %add3A_358, %mul3A_357 : i32
      %mul3A_360 = arith.constant 2 : i32
      %mul3A_361 = arith.muli %add3A_359, %mul3A_360 : i32
      %add3A_362 = arith.constant 0 : i32
      %add3A_363 = arith.addi %mul3A_361, %add3A_362 : i32
      %dma_wait3A_364 = arith.constant 0 : i32
      %dma_wait3A_365 = arith.constant 0 : i32
      %dma_wait3A_366 = tpu.memref_slice %arg10[%dma_wait3A_364, %dma_wait3A_365] : memref<128x128xf32, #tpu.memory_space<vmem>> -> memref<128x128xf32, #tpu.memory_space<vmem>>
      %dma_wait3A_367 = arith.constant 0 : i32
      %dma_wait3A_368 = tpu.memref_slice %arg6[%dma_wait3A_367] : memref<128xi32, #tpu.memory_space<vmem>> -> memref<128xi32, #tpu.memory_space<vmem>>
      %dma_wait3A_369 = arith.constant 0 : i32
      %dma_wait3A_370 = arith.constant 0 : i32
      %dma_wait3A_371 = tpu.memref_slice %arg3[%dma_wait3A_369, %dma_wait3A_370] : memref<500000x128xf32, #tpu.memory_space<hbm>> -> memref<500000x128xf32, #tpu.memory_space<hbm>>
      tpu.wait_indirect_dma semaphore(%arg15 : memref<!tpu.dma_semaphore, #tpu.memory_space<semaphore_mem>>) src(%dma_wait3A_371 : memref<500000x128xf32, #tpu.memory_space<hbm>>) dst(%dma_wait3A_366 : memref<128x128xf32, #tpu.memory_space<vmem>>)
      %ge3A = arith.constant 1 : i32
      %ge3A_372 = arith.cmpi sge, %add3A_359, %ge3A : i32
      %convert_element_type3A = arith.extui %ge3A_372 : i1 to i32
      %cond3A = arith.constant 0 : i32
      %cond3A_373 = arith.cmpi ne, %convert_element_type3A, %cond3A : i32
      scf.if %cond3A_373 {
        %sub3A = arith.constant 2 : i32
        %sub3A_424 = arith.subi %add3A_363, %sub3A : i32
        %mul3A_425 = arith.constant 128 : i32
        %mul3A_426 = arith.muli %sub3A_424, %mul3A_425 : i32
        %add3A_427 = arith.addi %mul3A_2, %mul3A_426 : i32
        %dma_wait3A_428 = arith.constant 0 : i32
        %dma_wait3A_429 = tpu.memref_slice %arg5[%add3A_427, %dma_wait3A_428] : memref<819200x64xf32, #tpu.memory_space<hbm>> -> memref<128x64xf32, #tpu.memory_space<hbm>>
        %dma_wait3A_430 = arith.constant 0 : i32
        %dma_wait3A_431 = tpu.memref_slice %arg5[%add3A_427, %dma_wait3A_430] : memref<819200x64xf32, #tpu.memory_space<hbm>> -> memref<128x64xf32, #tpu.memory_space<hbm>>
        tpu.wait_dma2 semaphore(%arg17 : memref<!tpu.dma_semaphore, #tpu.memory_space<semaphore_mem>>) src(%arg12 : memref<128x64xf32, #tpu.memory_space<vmem>>) dst(%dma_wait3A_431 : memref<128x64xf32, #tpu.memory_space<hbm>>)
      } else {
      }
      %scan3A_374 = arith.constant 0 : i32
      %scan3A_375 = arith.constant 128 : i32
      %scan3A_376 = arith.addi %scan3A_374, %scan3A_375 : i32
      %scan3A_377 = arith.constant 1 : i32
      scf.for %scan3A_424 = %scan3A_374 to %scan3A_376 step %scan3A_377  : i32 {
        %mul3A_425 = arith.constant 1 : i32
        %mul3A_426 = arith.muli %scan3A_424, %mul3A_425 : i32
        %add3A_427 = arith.constant 0 : i32
        %add3A_428 = arith.addi %add3A_427, %mul3A_426 : i32
        %get3A_429 = arith.index_cast %add3A_428 : i32 to index
        %get3A_430 = tpu.vector_load %arg8[%get3A_429] {strides = array<i32>} : memref<144xi32, #tpu.memory_space<vmem>>, vector<16xi32>,
        %get3A_431 = vector.shape_cast %get3A_430 : vector<16xi32> to vector<16xi32>
        %slice3A = vector.extract_strided_slice %get3A_431 {offsets = [0], sizes = [1], strides = [1]} : vector<16xi32> to vector<1xi32>
        %squeeze3A = vector.extract %slice3A[0] : i32 from vector<1xi32>
        %add3A_432 = arith.constant 0 : i32
        %add3A_433 = arith.addi %squeeze3A, %add3A_432 : i32
        %get3A_434 = arith.index_cast %add3A_428 : i32 to index
        %get3A_435 = arith.index_cast %add3A_433 : i32 to index
        %get3A_436 = tpu.vector_load %arg10[%get3A_434, %get3A_435] {strides = array<i32>} : memref<128x128xf32, #tpu.memory_space<vmem>>, vector<1x16xf32>,
        %get3A_437 = vector.shape_cast %get3A_436 : vector<1x16xf32> to vector<16xf32>
        %mul3A_438 = arith.mulf %get3A_437, %get3A_4 : vector<16xf32>
        %swap3A_439 = arith.index_cast %add3A_428 : i32 to index
        %swap3A_440 = arith.constant 0 : index
        %swap3A_441 = tpu.vector_load %arg12[%swap3A_439, %swap3A_440] {strides = array<i32>} : memref<128x64xf32, #tpu.memory_space<vmem>>, vector<1x16xf32>,
        %swap3A_442 = vector.shape_cast %swap3A_441 : vector<1x16xf32> to vector<16xf32>
        %swap3A_443 = vector.shape_cast %mul3A_438 : vector<16xf32> to vector<1x16xf32>
        tpu.vector_store %arg12[%swap3A_439, %swap3A_440], %swap3A_443 {strides = array<i32>} : memref<128x64xf32, #tpu.memory_space<vmem>>, vector<1x16xf32>,
        %add3A_444 = arith.constant 16 : i32
        %add3A_445 = arith.addi %squeeze3A, %add3A_444 : i32
        %get3A_446 = arith.index_cast %add3A_428 : i32 to index
        %get3A_447 = arith.index_cast %add3A_445 : i32 to index
        %get3A_448 = tpu.vector_load %arg10[%get3A_446, %get3A_447] {strides = array<i32>} : memref<128x128xf32, #tpu.memory_space<vmem>>, vector<1x16xf32>,
        %get3A_449 = vector.shape_cast %get3A_448 : vector<1x16xf32> to vector<16xf32>
        %mul3A_450 = arith.mulf %get3A_449, %get3A_4 : vector<16xf32>
        %swap3A_451 = arith.index_cast %add3A_428 : i32 to index
        %swap3A_452 = arith.constant 16 : index
        %swap3A_453 = tpu.vector_load %arg12[%swap3A_451, %swap3A_452] {strides = array<i32>} : memref<128x64xf32, #tpu.memory_space<vmem>>, vector<1x16xf32>,
        %swap3A_454 = vector.shape_cast %swap3A_453 : vector<1x16xf32> to vector<16xf32>
        %swap3A_455 = vector.shape_cast %mul3A_450 : vector<16xf32> to vector<1x16xf32>
        tpu.vector_store %arg12[%swap3A_451, %swap3A_452], %swap3A_455 {strides = array<i32>} : memref<128x64xf32, #tpu.memory_space<vmem>>, vector<1x16xf32>,
        %add3A_456 = arith.constant 32 : i32
        %add3A_457 = arith.addi %squeeze3A, %add3A_456 : i32
        %get3A_458 = arith.index_cast %add3A_428 : i32 to index
        %get3A_459 = arith.index_cast %add3A_457 : i32 to index
        %get3A_460 = tpu.vector_load %arg10[%get3A_458, %get3A_459] {strides = array<i32>} : memref<128x128xf32, #tpu.memory_space<vmem>>, vector<1x16xf32>,
        %get3A_461 = vector.shape_cast %get3A_460 : vector<1x16xf32> to vector<16xf32>
        %mul3A_462 = arith.mulf %get3A_461, %get3A_4 : vector<16xf32>
        %swap3A_463 = arith.index_cast %add3A_428 : i32 to index
        %swap3A_464 = arith.constant 32 : index
        %swap3A_465 = tpu.vector_load %arg12[%swap3A_463, %swap3A_464] {strides = array<i32>} : memref<128x64xf32, #tpu.memory_space<vmem>>, vector<1x16xf32>,
        %swap3A_466 = vector.shape_cast %swap3A_465 : vector<1x16xf32> to vector<16xf32>
        %swap3A_467 = vector.shape_cast %mul3A_462 : vector<16xf32> to vector<1x16xf32>
        tpu.vector_store %arg12[%swap3A_463, %swap3A_464], %swap3A_467 {strides = array<i32>} : memref<128x64xf32, #tpu.memory_space<vmem>>, vector<1x16xf32>,
        %add3A_468 = arith.constant 48 : i32
        %add3A_469 = arith.addi %squeeze3A, %add3A_468 : i32
        %get3A_470 = arith.index_cast %add3A_428 : i32 to index
        %get3A_471 = arith.index_cast %add3A_469 : i32 to index
        %get3A_472 = tpu.vector_load %arg10[%get3A_470, %get3A_471] {strides = array<i32>} : memref<128x128xf32, #tpu.memory_space<vmem>>, vector<1x16xf32>,
        %get3A_473 = vector.shape_cast %get3A_472 : vector<1x16xf32> to vector<16xf32>
        %mul3A_474 = arith.mulf %get3A_473, %get3A_4 : vector<16xf32>
        %swap3A_475 = arith.index_cast %add3A_428 : i32 to index
        %swap3A_476 = arith.constant 48 : index
        %swap3A_477 = tpu.vector_load %arg12[%swap3A_475, %swap3A_476] {strides = array<i32>} : memref<128x64xf32, #tpu.memory_space<vmem>>, vector<1x16xf32>,
        %swap3A_478 = vector.shape_cast %swap3A_477 : vector<1x16xf32> to vector<16xf32>
        %swap3A_479 = vector.shape_cast %mul3A_474 : vector<16xf32> to vector<1x16xf32>
        tpu.vector_store %arg12[%swap3A_475, %swap3A_476], %swap3A_479 {strides = array<i32>} : memref<128x64xf32, #tpu.memory_space<vmem>>, vector<1x16xf32>,
      }
      %scan3A_378 = arith.constant 128 : i32
      %mul3A_379 = arith.constant 128 : i32
      %mul3A_380 = arith.muli %add3A_363, %mul3A_379 : i32
      %add3A_381 = arith.addi %mul3A_2, %mul3A_380 : i32
      %dma_start3A_382 = arith.constant 0 : i32
      %dma_start3A_383 = tpu.memref_slice %arg5[%add3A_381, %dma_start3A_382] : memref<819200x64xf32, #tpu.memory_space<hbm>> -> memref<128x64xf32, #tpu.memory_space<hbm>>
      %dma_start3A_384 = arith.constant 0 : i32
      %dma_start3A_385 = tpu.memref_slice %arg5[%add3A_381, %dma_start3A_384] : memref<819200x64xf32, #tpu.memory_space<hbm>> -> memref<128x64xf32, #tpu.memory_space<hbm>>
      tpu.enqueue_dma source(%arg12 : memref<128x64xf32, #tpu.memory_space<vmem>>) target(%dma_start3A_385 : memref<128x64xf32, #tpu.memory_space<hbm>>) target_semaphore(%arg17 : memref<!tpu.dma_semaphore, #tpu.memory_space<semaphore_mem>>)
      %lt3A = arith.constant 99 : i32
      %lt3A_386 = arith.cmpi slt, %add3A_359, %lt3A : i32
      %convert_element_type3A_387 = arith.extui %lt3A_386 : i1 to i32
      %cond3A_388 = arith.constant 0 : i32
      %cond3A_389 = arith.cmpi ne, %convert_element_type3A_387, %cond3A_388 : i32
      scf.if %cond3A_389 {
        %add3A_424 = arith.constant 2 : i32
        %add3A_425 = arith.addi %add3A_363, %add3A_424 : i32
        %mul3A_426 = arith.constant 128 : i32
        %mul3A_427 = arith.muli %add3A_425, %mul3A_426 : i32
        %add3A_428 = arith.addi %mul3A_2, %mul3A_427 : i32
        "tpu.region"() ({
          %run_scoped3A = tpu.sem_alloc : memref<!tpu.dma_semaphore, #tpu.memory_space<semaphore_mem>>
          %dma_start3A_597 = tpu.memref_slice %arg2[%add3A_428] : memref<819200xi32, #tpu.memory_space<hbm>> -> memref<128xi32, #tpu.memory_space<hbm>>
          %dma_start3A_598 = tpu.memref_slice %arg2[%add3A_428] : memref<819200xi32, #tpu.memory_space<hbm>> -> memref<128xi32, #tpu.memory_space<hbm>>
          tpu.enqueue_dma source(%dma_start3A_598 : memref<128xi32, #tpu.memory_space<hbm>>) target(%arg6 : memref<128xi32, #tpu.memory_space<vmem>>) target_semaphore(%run_scoped3A : memref<!tpu.dma_semaphore, #tpu.memory_space<semaphore_mem>>)
          %dma_wait3A_599 = tpu.memref_slice %arg2[%add3A_428] : memref<819200xi32, #tpu.memory_space<hbm>> -> memref<128xi32, #tpu.memory_space<hbm>>
          %dma_wait3A_600 = tpu.memref_slice %arg2[%add3A_428] : memref<819200xi32, #tpu.memory_space<hbm>> -> memref<128xi32, #tpu.memory_space<hbm>>
          tpu.wait_dma2 semaphore(%run_scoped3A : memref<!tpu.dma_semaphore, #tpu.memory_space<semaphore_mem>>) src(%dma_wait3A_600 : memref<128xi32, #tpu.memory_space<hbm>>) dst(%arg6 : memref<128xi32, #tpu.memory_space<vmem>>)
          tpu.yield
        }) : () -> ()
        %get3A_429 = arith.constant 0 : index
        %get3A_430 = tpu.vector_load %arg6[%get3A_429] {strides = array<i32>} : memref<128xi32, #tpu.memory_space<vmem>>, vector<16xi32>,
        %get3A_431 = vector.shape_cast %get3A_430 : vector<16xi32> to vector<16xi32>
        %and3A_432 = arith.constant 1 : i32
        %and3A_433 = vector.broadcast %and3A_432 : i32 to vector<16xi32>
        %and3A_434 = arith.andi %get3A_431, %and3A_433 : vector<16xi32>
        %shift_left3A_435 = arith.constant 6 : i32
        %shift_left3A_436 = vector.broadcast %shift_left3A_435 : i32 to vector<16xi32>
        %shift_left3A_437 = arith.shli %and3A_434, %shift_left3A_436 : vector<16xi32>
        %swap3A_438 = arith.constant 0 : index
        %swap3A_439 = tpu.vector_load %arg8[%swap3A_438] {strides = array<i32>} : memref<144xi32, #tpu.memory_space<vmem>>, vector<16xi32>,
        %swap3A_440 = vector.shape_cast %swap3A_439 : vector<16xi32> to vector<16xi32>
        %swap3A_441 = vector.shape_cast %shift_left3A_437 : vector<16xi32> to vector<16xi32>
        tpu.vector_store %arg8[%swap3A_438], %swap3A_441 {strides = array<i32>} : memref<144xi32, #tpu.memory_space<vmem>>, vector<16xi32>,
        %shift_right_arithmetic3A_442 = arith.constant 1 : i32
        %shift_right_arithmetic3A_443 = vector.broadcast %shift_right_arithmetic3A_442 : i32 to vector<16xi32>
        %shift_right_arithmetic3A_444 = arith.shrsi %get3A_431, %shift_right_arithmetic3A_443 : vector<16xi32>
        %swap3A_445 = arith.constant 0 : index
        %swap3A_446 = tpu.vector_load %arg6[%swap3A_445] {strides = array<i32>} : memref<128xi32, #tpu.memory_space<vmem>>, vector<16xi32>,
        %swap3A_447 = vector.shape_cast %swap3A_446 : vector<16xi32> to vector<16xi32>
        %swap3A_448 = vector.shape_cast %shift_right_arithmetic3A_444 : vector<16xi32> to vector<16xi32>
        tpu.vector_store %arg6[%swap3A_445], %swap3A_448 {strides = array<i32>} : memref<128xi32, #tpu.memory_space<vmem>>, vector<16xi32>,
        %get3A_449 = arith.constant 16 : index
        %get3A_450 = tpu.vector_load %arg6[%get3A_449] {strides = array<i32>} : memref<128xi32, #tpu.memory_space<vmem>>, vector<16xi32>,
        %get3A_451 = vector.shape_cast %get3A_450 : vector<16xi32> to vector<16xi32>
        %and3A_452 = arith.constant 1 : i32
        %and3A_453 = vector.broadcast %and3A_452 : i32 to vector<16xi32>
        %and3A_454 = arith.andi %get3A_451, %and3A_453 : vector<16xi32>
        %shift_left3A_455 = arith.constant 6 : i32
        %shift_left3A_456 = vector.broadcast %shift_left3A_455 : i32 to vector<16xi32>
        %shift_left3A_457 = arith.shli %and3A_454, %shift_left3A_456 : vector<16xi32>
        %swap3A_458 = arith.constant 16 : index
        %swap3A_459 = tpu.vector_load %arg8[%swap3A_458] {strides = array<i32>} : memref<144xi32, #tpu.memory_space<vmem>>, vector<16xi32>,
        %swap3A_460 = vector.shape_cast %swap3A_459 : vector<16xi32> to vector<16xi32>
        %swap3A_461 = vector.shape_cast %shift_left3A_457 : vector<16xi32> to vector<16xi32>
        tpu.vector_store %arg8[%swap3A_458], %swap3A_461 {strides = array<i32>} : memref<144xi32, #tpu.memory_space<vmem>>, vector<16xi32>,
        %shift_right_arithmetic3A_462 = arith.constant 1 : i32
        %shift_right_arithmetic3A_463 = vector.broadcast %shift_right_arithmetic3A_462 : i32 to vector<16xi32>
        %shift_right_arithmetic3A_464 = arith.shrsi %get3A_451, %shift_right_arithmetic3A_463 : vector<16xi32>
        %swap3A_465 = arith.constant 16 : index
        %swap3A_466 = tpu.vector_load %arg6[%swap3A_465] {strides = array<i32>} : memref<128xi32, #tpu.memory_space<vmem>>, vector<16xi32>,
        %swap3A_467 = vector.shape_cast %swap3A_466 : vector<16xi32> to vector<16xi32>
        %swap3A_468 = vector.shape_cast %shift_right_arithmetic3A_464 : vector<16xi32> to vector<16xi32>
        tpu.vector_store %arg6[%swap3A_465], %swap3A_468 {strides = array<i32>} : memref<128xi32, #tpu.memory_space<vmem>>, vector<16xi32>,
        %get3A_469 = arith.constant 32 : index
        %get3A_470 = tpu.vector_load %arg6[%get3A_469] {strides = array<i32>} : memref<128xi32, #tpu.memory_space<vmem>>, vector<16xi32>,
        %get3A_471 = vector.shape_cast %get3A_470 : vector<16xi32> to vector<16xi32>
        %and3A_472 = arith.constant 1 : i32
        %and3A_473 = vector.broadcast %and3A_472 : i32 to vector<16xi32>
        %and3A_474 = arith.andi %get3A_471, %and3A_473 : vector<16xi32>
        %shift_left3A_475 = arith.constant 6 : i32
        %shift_left3A_476 = vector.broadcast %shift_left3A_475 : i32 to vector<16xi32>
        %shift_left3A_477 = arith.shli %and3A_474, %shift_left3A_476 : vector<16xi32>
        %swap3A_478 = arith.constant 32 : index
        %swap3A_479 = tpu.vector_load %arg8[%swap3A_478] {strides = array<i32>} : memref<144xi32, #tpu.memory_space<vmem>>, vector<16xi32>,
        %swap3A_480 = vector.shape_cast %swap3A_479 : vector<16xi32> to vector<16xi32>
        %swap3A_481 = vector.shape_cast %shift_left3A_477 : vector<16xi32> to vector<16xi32>
        tpu.vector_store %arg8[%swap3A_478], %swap3A_481 {strides = array<i32>} : memref<144xi32, #tpu.memory_space<vmem>>, vector<16xi32>,
        %shift_right_arithmetic3A_482 = arith.constant 1 : i32
        %shift_right_arithmetic3A_483 = vector.broadcast %shift_right_arithmetic3A_482 : i32 to vector<16xi32>
        %shift_right_arithmetic3A_484 = arith.shrsi %get3A_471, %shift_right_arithmetic3A_483 : vector<16xi32>
        %swap3A_485 = arith.constant 32 : index
        %swap3A_486 = tpu.vector_load %arg6[%swap3A_485] {strides = array<i32>} : memref<128xi32, #tpu.memory_space<vmem>>, vector<16xi32>,
        %swap3A_487 = vector.shape_cast %swap3A_486 : vector<16xi32> to vector<16xi32>
        %swap3A_488 = vector.shape_cast %shift_right_arithmetic3A_484 : vector<16xi32> to vector<16xi32>
        tpu.vector_store %arg6[%swap3A_485], %swap3A_488 {strides = array<i32>} : memref<128xi32, #tpu.memory_space<vmem>>, vector<16xi32>,
        %get3A_489 = arith.constant 48 : index
        %get3A_490 = tpu.vector_load %arg6[%get3A_489] {strides = array<i32>} : memref<128xi32, #tpu.memory_space<vmem>>, vector<16xi32>,
        %get3A_491 = vector.shape_cast %get3A_490 : vector<16xi32> to vector<16xi32>
        %and3A_492 = arith.constant 1 : i32
        %and3A_493 = vector.broadcast %and3A_492 : i32 to vector<16xi32>
        %and3A_494 = arith.andi %get3A_491, %and3A_493 : vector<16xi32>
        %shift_left3A_495 = arith.constant 6 : i32
        %shift_left3A_496 = vector.broadcast %shift_left3A_495 : i32 to vector<16xi32>
        %shift_left3A_497 = arith.shli %and3A_494, %shift_left3A_496 : vector<16xi32>
        %swap3A_498 = arith.constant 48 : index
        %swap3A_499 = tpu.vector_load %arg8[%swap3A_498] {strides = array<i32>} : memref<144xi32, #tpu.memory_space<vmem>>, vector<16xi32>,
        %swap3A_500 = vector.shape_cast %swap3A_499 : vector<16xi32> to vector<16xi32>
        %swap3A_501 = vector.shape_cast %shift_left3A_497 : vector<16xi32> to vector<16xi32>
        tpu.vector_store %arg8[%swap3A_498], %swap3A_501 {strides = array<i32>} : memref<144xi32, #tpu.memory_space<vmem>>, vector<16xi32>,
        %shift_right_arithmetic3A_502 = arith.constant 1 : i32
        %shift_right_arithmetic3A_503 = vector.broadcast %shift_right_arithmetic3A_502 : i32 to vector<16xi32>
        %shift_right_arithmetic3A_504 = arith.shrsi %get3A_491, %shift_right_arithmetic3A_503 : vector<16xi32>
        %swap3A_505 = arith.constant 48 : index
        %swap3A_506 = tpu.vector_load %arg6[%swap3A_505] {strides = array<i32>} : memref<128xi32, #tpu.memory_space<vmem>>, vector<16xi32>,
        %swap3A_507 = vector.shape_cast %swap3A_506 : vector<16xi32> to vector<16xi32>
        %swap3A_508 = vector.shape_cast %shift_right_arithmetic3A_504 : vector<16xi32> to vector<16xi32>
        tpu.vector_store %arg6[%swap3A_505], %swap3A_508 {strides = array<i32>} : memref<128xi32, #tpu.memory_space<vmem>>, vector<16xi32>,
        %get3A_509 = arith.constant 64 : index
        %get3A_510 = tpu.vector_load %arg6[%get3A_509] {strides = array<i32>} : memref<128xi32, #tpu.memory_space<vmem>>, vector<16xi32>,
        %get3A_511 = vector.shape_cast %get3A_510 : vector<16xi32> to vector<16xi32>
        %and3A_512 = arith.constant 1 : i32
        %and3A_513 = vector.broadcast %and3A_512 : i32 to vector<16xi32>
        %and3A_514 = arith.andi %get3A_511, %and3A_513 : vector<16xi32>
        %shift_left3A_515 = arith.constant 6 : i32
        %shift_left3A_516 = vector.broadcast %shift_left3A_515 : i32 to vector<16xi32>
        %shift_left3A_517 = arith.shli %and3A_514, %shift_left3A_516 : vector<16xi32>
        %swap3A_518 = arith.constant 64 : index
        %swap3A_519 = tpu.vector_load %arg8[%swap3A_518] {strides = array<i32>} : memref<144xi32, #tpu.memory_space<vmem>>, vector<16xi32>,
        %swap3A_520 = vector.shape_cast %swap3A_519 : vector<16xi32> to vector<16xi32>
        %swap3A_521 = vector.shape_cast %shift_left3A_517 : vector<16xi32> to vector<16xi32>
        tpu.vector_store %arg8[%swap3A_518], %swap3A_521 {strides = array<i32>} : memref<144xi32, #tpu.memory_space<vmem>>, vector<16xi32>,
        %shift_right_arithmetic3A_522 = arith.constant 1 : i32
        %shift_right_arithmetic3A_523 = vector.broadcast %shift_right_arithmetic3A_522 : i32 to vector<16xi32>
        %shift_right_arithmetic3A_524 = arith.shrsi %get3A_511, %shift_right_arithmetic3A_523 : vector<16xi32>
        %swap3A_525 = arith.constant 64 : index
        %swap3A_526 = tpu.vector_load %arg6[%swap3A_525] {strides = array<i32>} : memref<128xi32, #tpu.memory_space<vmem>>, vector<16xi32>,
        %swap3A_527 = vector.shape_cast %swap3A_526 : vector<16xi32> to vector<16xi32>
        %swap3A_528 = vector.shape_cast %shift_right_arithmetic3A_524 : vector<16xi32> to vector<16xi32>
        tpu.vector_store %arg6[%swap3A_525], %swap3A_528 {strides = array<i32>} : memref<128xi32, #tpu.memory_space<vmem>>, vector<16xi32>,
        %get3A_529 = arith.constant 80 : index
        %get3A_530 = tpu.vector_load %arg6[%get3A_529] {strides = array<i32>} : memref<128xi32, #tpu.memory_space<vmem>>, vector<16xi32>,
        %get3A_531 = vector.shape_cast %get3A_530 : vector<16xi32> to vector<16xi32>
        %and3A_532 = arith.constant 1 : i32
        %and3A_533 = vector.broadcast %and3A_532 : i32 to vector<16xi32>
        %and3A_534 = arith.andi %get3A_531, %and3A_533 : vector<16xi32>
        %shift_left3A_535 = arith.constant 6 : i32
        %shift_left3A_536 = vector.broadcast %shift_left3A_535 : i32 to vector<16xi32>
        %shift_left3A_537 = arith.shli %and3A_534, %shift_left3A_536 : vector<16xi32>
        %swap3A_538 = arith.constant 80 : index
        %swap3A_539 = tpu.vector_load %arg8[%swap3A_538] {strides = array<i32>} : memref<144xi32, #tpu.memory_space<vmem>>, vector<16xi32>,
        %swap3A_540 = vector.shape_cast %swap3A_539 : vector<16xi32> to vector<16xi32>
        %swap3A_541 = vector.shape_cast %shift_left3A_537 : vector<16xi32> to vector<16xi32>
        tpu.vector_store %arg8[%swap3A_538], %swap3A_541 {strides = array<i32>} : memref<144xi32, #tpu.memory_space<vmem>>, vector<16xi32>,
        %shift_right_arithmetic3A_542 = arith.constant 1 : i32
        %shift_right_arithmetic3A_543 = vector.broadcast %shift_right_arithmetic3A_542 : i32 to vector<16xi32>
        %shift_right_arithmetic3A_544 = arith.shrsi %get3A_531, %shift_right_arithmetic3A_543 : vector<16xi32>
        %swap3A_545 = arith.constant 80 : index
        %swap3A_546 = tpu.vector_load %arg6[%swap3A_545] {strides = array<i32>} : memref<128xi32, #tpu.memory_space<vmem>>, vector<16xi32>,
        %swap3A_547 = vector.shape_cast %swap3A_546 : vector<16xi32> to vector<16xi32>
        %swap3A_548 = vector.shape_cast %shift_right_arithmetic3A_544 : vector<16xi32> to vector<16xi32>
        tpu.vector_store %arg6[%swap3A_545], %swap3A_548 {strides = array<i32>} : memref<128xi32, #tpu.memory_space<vmem>>, vector<16xi32>,
        %get3A_549 = arith.constant 96 : index
        %get3A_550 = tpu.vector_load %arg6[%get3A_549] {strides = array<i32>} : memref<128xi32, #tpu.memory_space<vmem>>, vector<16xi32>,
        %get3A_551 = vector.shape_cast %get3A_550 : vector<16xi32> to vector<16xi32>
        %and3A_552 = arith.constant 1 : i32
        %and3A_553 = vector.broadcast %and3A_552 : i32 to vector<16xi32>
        %and3A_554 = arith.andi %get3A_551, %and3A_553 : vector<16xi32>
        %shift_left3A_555 = arith.constant 6 : i32
        %shift_left3A_556 = vector.broadcast %shift_left3A_555 : i32 to vector<16xi32>
        %shift_left3A_557 = arith.shli %and3A_554, %shift_left3A_556 : vector<16xi32>
        %swap3A_558 = arith.constant 96 : index
        %swap3A_559 = tpu.vector_load %arg8[%swap3A_558] {strides = array<i32>} : memref<144xi32, #tpu.memory_space<vmem>>, vector<16xi32>,
        %swap3A_560 = vector.shape_cast %swap3A_559 : vector<16xi32> to vector<16xi32>
        %swap3A_561 = vector.shape_cast %shift_left3A_557 : vector<16xi32> to vector<16xi32>
        tpu.vector_store %arg8[%swap3A_558], %swap3A_561 {strides = array<i32>} : memref<144xi32, #tpu.memory_space<vmem>>, vector<16xi32>,
        %shift_right_arithmetic3A_562 = arith.constant 1 : i32
        %shift_right_arithmetic3A_563 = vector.broadcast %shift_right_arithmetic3A_562 : i32 to vector<16xi32>
        %shift_right_arithmetic3A_564 = arith.shrsi %get3A_551, %shift_right_arithmetic3A_563 : vector<16xi32>
        %swap3A_565 = arith.constant 96 : index
        %swap3A_566 = tpu.vector_load %arg6[%swap3A_565] {strides = array<i32>} : memref<128xi32, #tpu.memory_space<vmem>>, vector<16xi32>,
        %swap3A_567 = vector.shape_cast %swap3A_566 : vector<16xi32> to vector<16xi32>
        %swap3A_568 = vector.shape_cast %shift_right_arithmetic3A_564 : vector<16xi32> to vector<16xi32>
        tpu.vector_store %arg6[%swap3A_565], %swap3A_568 {strides = array<i32>} : memref<128xi32, #tpu.memory_space<vmem>>, vector<16xi32>,
        %get3A_569 = arith.constant 112 : index
        %get3A_570 = tpu.vector_load %arg6[%get3A_569] {strides = array<i32>} : memref<128xi32, #tpu.memory_space<vmem>>, vector<16xi32>,
        %get3A_571 = vector.shape_cast %get3A_570 : vector<16xi32> to vector<16xi32>
        %and3A_572 = arith.constant 1 : i32
        %and3A_573 = vector.broadcast %and3A_572 : i32 to vector<16xi32>
        %and3A_574 = arith.andi %get3A_571, %and3A_573 : vector<16xi32>
        %shift_left3A_575 = arith.constant 6 : i32
        %shift_left3A_576 = vector.broadcast %shift_left3A_575 : i32 to vector<16xi32>
        %shift_left3A_577 = arith.shli %and3A_574, %shift_left3A_576 : vector<16xi32>
        %swap3A_578 = arith.constant 112 : index
        %swap3A_579 = tpu.vector_load %arg8[%swap3A_578] {strides = array<i32>} : memref<144xi32, #tpu.memory_space<vmem>>, vector<16xi32>,
        %swap3A_580 = vector.shape_cast %swap3A_579 : vector<16xi32> to vector<16xi32>
        %swap3A_581 = vector.shape_cast %shift_left3A_577 : vector<16xi32> to vector<16xi32>
        tpu.vector_store %arg8[%swap3A_578], %swap3A_581 {strides = array<i32>} : memref<144xi32, #tpu.memory_space<vmem>>, vector<16xi32>,
        %shift_right_arithmetic3A_582 = arith.constant 1 : i32
        %shift_right_arithmetic3A_583 = vector.broadcast %shift_right_arithmetic3A_582 : i32 to vector<16xi32>
        %shift_right_arithmetic3A_584 = arith.shrsi %get3A_571, %shift_right_arithmetic3A_583 : vector<16xi32>
        %swap3A_585 = arith.constant 112 : index
        %swap3A_586 = tpu.vector_load %arg6[%swap3A_585] {strides = array<i32>} : memref<128xi32, #tpu.memory_space<vmem>>, vector<16xi32>,
        %swap3A_587 = vector.shape_cast %swap3A_586 : vector<16xi32> to vector<16xi32>
        %swap3A_588 = vector.shape_cast %shift_right_arithmetic3A_584 : vector<16xi32> to vector<16xi32>
        tpu.vector_store %arg6[%swap3A_585], %swap3A_588 {strides = array<i32>} : memref<128xi32, #tpu.memory_space<vmem>>, vector<16xi32>,
        %dma_start3A_589 = arith.constant 0 : i32
        %dma_start3A_590 = arith.constant 0 : i32
        %dma_start3A_591 = tpu.memref_slice %arg10[%dma_start3A_589, %dma_start3A_590] : memref<128x128xf32, #tpu.memory_space<vmem>> -> memref<128x128xf32, #tpu.memory_space<vmem>>
        %dma_start3A_592 = arith.constant 0 : i32
        %dma_start3A_593 = tpu.memref_slice %arg6[%dma_start3A_592] : memref<128xi32, #tpu.memory_space<vmem>> -> memref<128xi32, #tpu.memory_space<vmem>>
        %dma_start3A_594 = arith.constant 0 : i32
        %dma_start3A_595 = arith.constant 0 : i32
        %dma_start3A_596 = tpu.memref_slice %arg3[%dma_start3A_594, %dma_start3A_595] : memref<500000x128xf32, #tpu.memory_space<hbm>> -> memref<500000x128xf32, #tpu.memory_space<hbm>>
        tpu.enqueue_indirect_dma source(%dma_start3A_596 : memref<500000x128xf32, #tpu.memory_space<hbm>>) target(%dma_start3A_591 : memref<128x128xf32, #tpu.memory_space<vmem>>) offsets(%dma_start3A_593 : memref<128xi32, #tpu.memory_space<vmem>>) semaphore(%arg15 : memref<!tpu.dma_semaphore, #tpu.memory_space<semaphore_mem>>)
      } else {
      }
      %mul3A_390 = arith.constant 2 : i32
      %mul3A_391 = arith.muli %add3A_359, %mul3A_390 : i32
      %add3A_392 = arith.constant 1 : i32
      %add3A_393 = arith.addi %mul3A_391, %add3A_392 : i32
      %dma_wait3A_394 = arith.constant 0 : i32
      %dma_wait3A_395 = arith.constant 0 : i32
      %dma_wait3A_396 = tpu.memref_slice %arg11[%dma_wait3A_394, %dma_wait3A_395] : memref<128x128xf32, #tpu.memory_space<vmem>> -> memref<128x128xf32, #tpu.memory_space<vmem>>
      %dma_wait3A_397 = arith.constant 0 : i32
      %dma_wait3A_398 = tpu.memref_slice %arg7[%dma_wait3A_397] : memref<128xi32, #tpu.memory_space<vmem>> -> memref<128xi32, #tpu.memory_space<vmem>>
      %dma_wait3A_399 = arith.constant 0 : i32
      %dma_wait3A_400 = arith.constant 0 : i32
      %dma_wait3A_401 = tpu.memref_slice %arg3[%dma_wait3A_399, %dma_wait3A_400] : memref<500000x128xf32, #tpu.memory_space<hbm>> -> memref<500000x128xf32, #tpu.memory_space<hbm>>
      tpu.wait_indirect_dma semaphore(%arg16 : memref<!tpu.dma_semaphore, #tpu.memory_space<semaphore_mem>>) src(%dma_wait3A_401 : memref<500000x128xf32, #tpu.memory_space<hbm>>) dst(%dma_wait3A_396 : memref<128x128xf32, #tpu.memory_space<vmem>>)
      %ge3A_402 = arith.constant 1 : i32
      %ge3A_403 = arith.cmpi sge, %add3A_359, %ge3A_402 : i32
      %convert_element_type3A_404 = arith.extui %ge3A_403 : i1 to i32
      %cond3A_405 = arith.constant 0 : i32
      %cond3A_406 = arith.cmpi ne, %convert_element_type3A_404, %cond3A_405 : i32
      scf.if %cond3A_406 {
        %sub3A = arith.constant 2 : i32
        %sub3A_424 = arith.subi %add3A_393, %sub3A : i32
        %mul3A_425 = arith.constant 128 : i32
        %mul3A_426 = arith.muli %sub3A_424, %mul3A_425 : i32
        %add3A_427 = arith.addi %mul3A_2, %mul3A_426 : i32
        %dma_wait3A_428 = arith.constant 0 : i32
        %dma_wait3A_429 = tpu.memref_slice %arg5[%add3A_427, %dma_wait3A_428] : memref<819200x64xf32, #tpu.memory_space<hbm>> -> memref<128x64xf32, #tpu.memory_space<hbm>>
        %dma_wait3A_430 = arith.constant 0 : i32
        %dma_wait3A_431 = tpu.memref_slice %arg5[%add3A_427, %dma_wait3A_430] : memref<819200x64xf32, #tpu.memory_space<hbm>> -> memref<128x64xf32, #tpu.memory_space<hbm>>
        tpu.wait_dma2 semaphore(%arg18 : memref<!tpu.dma_semaphore, #tpu.memory_space<semaphore_mem>>) src(%arg13 : memref<128x64xf32, #tpu.memory_space<vmem>>) dst(%dma_wait3A_431 : memref<128x64xf32, #tpu.memory_space<hbm>>)
      } else {
      }
      %scan3A_407 = arith.constant 0 : i32
      %scan3A_408 = arith.constant 128 : i32
      %scan3A_409 = arith.addi %scan3A_407, %scan3A_408 : i32
      %scan3A_410 = arith.constant 1 : i32
      scf.for %scan3A_424 = %scan3A_407 to %scan3A_409 step %scan3A_410  : i32 {
        %mul3A_425 = arith.constant 1 : i32
        %mul3A_426 = arith.muli %scan3A_424, %mul3A_425 : i32
        %add3A_427 = arith.constant 0 : i32
        %add3A_428 = arith.addi %add3A_427, %mul3A_426 : i32
        %get3A_429 = arith.index_cast %add3A_428 : i32 to index
        %get3A_430 = tpu.vector_load %arg9[%get3A_429] {strides = array<i32>} : memref<144xi32, #tpu.memory_space<vmem>>, vector<16xi32>,
        %get3A_431 = vector.shape_cast %get3A_430 : vector<16xi32> to vector<16xi32>
        %slice3A = vector.extract_strided_slice %get3A_431 {offsets = [0], sizes = [1], strides = [1]} : vector<16xi32> to vector<1xi32>
        %squeeze3A = vector.extract %slice3A[0] : i32 from vector<1xi32>
        %add3A_432 = arith.constant 0 : i32
        %add3A_433 = arith.addi %squeeze3A, %add3A_432 : i32
        %get3A_434 = arith.index_cast %add3A_428 : i32 to index
        %get3A_435 = arith.index_cast %add3A_433 : i32 to index
        %get3A_436 = tpu.vector_load %arg11[%get3A_434, %get3A_435] {strides = array<i32>} : memref<128x128xf32, #tpu.memory_space<vmem>>, vector<1x16xf32>,
        %get3A_437 = vector.shape_cast %get3A_436 : vector<1x16xf32> to vector<16xf32>
        %mul3A_438 = arith.mulf %get3A_437, %get3A_4 : vector<16xf32>
        %swap3A_439 = arith.index_cast %add3A_428 : i32 to index
        %swap3A_440 = arith.constant 0 : index
        %swap3A_441 = tpu.vector_load %arg13[%swap3A_439, %swap3A_440] {strides = array<i32>} : memref<128x64xf32, #tpu.memory_space<vmem>>, vector<1x16xf32>,
        %swap3A_442 = vector.shape_cast %swap3A_441 : vector<1x16xf32> to vector<16xf32>
        %swap3A_443 = vector.shape_cast %mul3A_438 : vector<16xf32> to vector<1x16xf32>
        tpu.vector_store %arg13[%swap3A_439, %swap3A_440], %swap3A_443 {strides = array<i32>} : memref<128x64xf32, #tpu.memory_space<vmem>>, vector<1x16xf32>,
        %add3A_444 = arith.constant 16 : i32
        %add3A_445 = arith.addi %squeeze3A, %add3A_444 : i32
        %get3A_446 = arith.index_cast %add3A_428 : i32 to index
        %get3A_447 = arith.index_cast %add3A_445 : i32 to index
        %get3A_448 = tpu.vector_load %arg11[%get3A_446, %get3A_447] {strides = array<i32>} : memref<128x128xf32, #tpu.memory_space<vmem>>, vector<1x16xf32>,
        %get3A_449 = vector.shape_cast %get3A_448 : vector<1x16xf32> to vector<16xf32>
        %mul3A_450 = arith.mulf %get3A_449, %get3A_4 : vector<16xf32>
        %swap3A_451 = arith.index_cast %add3A_428 : i32 to index
        %swap3A_452 = arith.constant 16 : index
        %swap3A_453 = tpu.vector_load %arg13[%swap3A_451, %swap3A_452] {strides = array<i32>} : memref<128x64xf32, #tpu.memory_space<vmem>>, vector<1x16xf32>,
        %swap3A_454 = vector.shape_cast %swap3A_453 : vector<1x16xf32> to vector<16xf32>
        %swap3A_455 = vector.shape_cast %mul3A_450 : vector<16xf32> to vector<1x16xf32>
        tpu.vector_store %arg13[%swap3A_451, %swap3A_452], %swap3A_455 {strides = array<i32>} : memref<128x64xf32, #tpu.memory_space<vmem>>, vector<1x16xf32>,
        %add3A_456 = arith.constant 32 : i32
        %add3A_457 = arith.addi %squeeze3A, %add3A_456 : i32
        %get3A_458 = arith.index_cast %add3A_428 : i32 to index
        %get3A_459 = arith.index_cast %add3A_457 : i32 to index
        %get3A_460 = tpu.vector_load %arg11[%get3A_458, %get3A_459] {strides = array<i32>} : memref<128x128xf32, #tpu.memory_space<vmem>>, vector<1x16xf32>,
        %get3A_461 = vector.shape_cast %get3A_460 : vector<1x16xf32> to vector<16xf32>
        %mul3A_462 = arith.mulf %get3A_461, %get3A_4 : vector<16xf32>
        %swap3A_463 = arith.index_cast %add3A_428 : i32 to index
        %swap3A_464 = arith.constant 32 : index
        %swap3A_465 = tpu.vector_load %arg13[%swap3A_463, %swap3A_464] {strides = array<i32>} : memref<128x64xf32, #tpu.memory_space<vmem>>, vector<1x16xf32>,
        %swap3A_466 = vector.shape_cast %swap3A_465 : vector<1x16xf32> to vector<16xf32>
        %swap3A_467 = vector.shape_cast %mul3A_462 : vector<16xf32> to vector<1x16xf32>
        tpu.vector_store %arg13[%swap3A_463, %swap3A_464], %swap3A_467 {strides = array<i32>} : memref<128x64xf32, #tpu.memory_space<vmem>>, vector<1x16xf32>,
        %add3A_468 = arith.constant 48 : i32
        %add3A_469 = arith.addi %squeeze3A, %add3A_468 : i32
        %get3A_470 = arith.index_cast %add3A_428 : i32 to index
        %get3A_471 = arith.index_cast %add3A_469 : i32 to index
        %get3A_472 = tpu.vector_load %arg11[%get3A_470, %get3A_471] {strides = array<i32>} : memref<128x128xf32, #tpu.memory_space<vmem>>, vector<1x16xf32>,
        %get3A_473 = vector.shape_cast %get3A_472 : vector<1x16xf32> to vector<16xf32>
        %mul3A_474 = arith.mulf %get3A_473, %get3A_4 : vector<16xf32>
        %swap3A_475 = arith.index_cast %add3A_428 : i32 to index
        %swap3A_476 = arith.constant 48 : index
        %swap3A_477 = tpu.vector_load %arg13[%swap3A_475, %swap3A_476] {strides = array<i32>} : memref<128x64xf32, #tpu.memory_space<vmem>>, vector<1x16xf32>,
        %swap3A_478 = vector.shape_cast %swap3A_477 : vector<1x16xf32> to vector<16xf32>
        %swap3A_479 = vector.shape_cast %mul3A_474 : vector<16xf32> to vector<1x16xf32>
        tpu.vector_store %arg13[%swap3A_475, %swap3A_476], %swap3A_479 {strides = array<i32>} : memref<128x64xf32, #tpu.memory_space<vmem>>, vector<1x16xf32>,
      }
      %scan3A_411 = arith.constant 128 : i32
      %mul3A_412 = arith.constant 128 : i32
      %mul3A_413 = arith.muli %add3A_393, %mul3A_412 : i32
      %add3A_414 = arith.addi %mul3A_2, %mul3A_413 : i32
      %dma_start3A_415 = arith.constant 0 : i32
      %dma_start3A_416 = tpu.memref_slice %arg5[%add3A_414, %dma_start3A_415] : memref<819200x64xf32, #tpu.memory_space<hbm>> -> memref<128x64xf32, #tpu.memory_space<hbm>>
      %dma_start3A_417 = arith.constant 0 : i32
      %dma_start3A_418 = tpu.memref_slice %arg5[%add3A_414, %dma_start3A_417] : memref<819200x64xf32, #tpu.memory_space<hbm>> -> memref<128x64xf32, #tpu.memory_space<hbm>>
      tpu.enqueue_dma source(%arg13 : memref<128x64xf32, #tpu.memory_space<vmem>>) target(%dma_start3A_418 : memref<128x64xf32, #tpu.memory_space<hbm>>) target_semaphore(%arg18 : memref<!tpu.dma_semaphore, #tpu.memory_space<semaphore_mem>>)
      %lt3A_419 = arith.constant 99 : i32
      %lt3A_420 = arith.cmpi slt, %add3A_359, %lt3A_419 : i32
      %convert_element_type3A_421 = arith.extui %lt3A_420 : i1 to i32
      %cond3A_422 = arith.constant 0 : i32
      %cond3A_423 = arith.cmpi ne, %convert_element_type3A_421, %cond3A_422 : i32
      scf.if %cond3A_423 {
        %add3A_424 = arith.constant 2 : i32
        %add3A_425 = arith.addi %add3A_393, %add3A_424 : i32
        %mul3A_426 = arith.constant 128 : i32
        %mul3A_427 = arith.muli %add3A_425, %mul3A_426 : i32
        %add3A_428 = arith.addi %mul3A_2, %mul3A_427 : i32
        "tpu.region"() ({
          %run_scoped3A = tpu.sem_alloc : memref<!tpu.dma_semaphore, #tpu.memory_space<semaphore_mem>>
          %dma_start3A_597 = tpu.memref_slice %arg2[%add3A_428] : memref<819200xi32, #tpu.memory_space<hbm>> -> memref<128xi32, #tpu.memory_space<hbm>>
          %dma_start3A_598 = tpu.memref_slice %arg2[%add3A_428] : memref<819200xi32, #tpu.memory_space<hbm>> -> memref<128xi32, #tpu.memory_space<hbm>>
          tpu.enqueue_dma source(%dma_start3A_598 : memref<128xi32, #tpu.memory_space<hbm>>) target(%arg7 : memref<128xi32, #tpu.memory_space<vmem>>) target_semaphore(%run_scoped3A : memref<!tpu.dma_semaphore, #tpu.memory_space<semaphore_mem>>)
          %dma_wait3A_599 = tpu.memref_slice %arg2[%add3A_428] : memref<819200xi32, #tpu.memory_space<hbm>> -> memref<128xi32, #tpu.memory_space<hbm>>
          %dma_wait3A_600 = tpu.memref_slice %arg2[%add3A_428] : memref<819200xi32, #tpu.memory_space<hbm>> -> memref<128xi32, #tpu.memory_space<hbm>>
          tpu.wait_dma2 semaphore(%run_scoped3A : memref<!tpu.dma_semaphore, #tpu.memory_space<semaphore_mem>>) src(%dma_wait3A_600 : memref<128xi32, #tpu.memory_space<hbm>>) dst(%arg7 : memref<128xi32, #tpu.memory_space<vmem>>)
          tpu.yield
        }) : () -> ()
        %get3A_429 = arith.constant 0 : index
        %get3A_430 = tpu.vector_load %arg7[%get3A_429] {strides = array<i32>} : memref<128xi32, #tpu.memory_space<vmem>>, vector<16xi32>,
        %get3A_431 = vector.shape_cast %get3A_430 : vector<16xi32> to vector<16xi32>
        %and3A_432 = arith.constant 1 : i32
        %and3A_433 = vector.broadcast %and3A_432 : i32 to vector<16xi32>
        %and3A_434 = arith.andi %get3A_431, %and3A_433 : vector<16xi32>
        %shift_left3A_435 = arith.constant 6 : i32
        %shift_left3A_436 = vector.broadcast %shift_left3A_435 : i32 to vector<16xi32>
        %shift_left3A_437 = arith.shli %and3A_434, %shift_left3A_436 : vector<16xi32>
        %swap3A_438 = arith.constant 0 : index
        %swap3A_439 = tpu.vector_load %arg9[%swap3A_438] {strides = array<i32>} : memref<144xi32, #tpu.memory_space<vmem>>, vector<16xi32>,
        %swap3A_440 = vector.shape_cast %swap3A_439 : vector<16xi32> to vector<16xi32>
        %swap3A_441 = vector.shape_cast %shift_left3A_437 : vector<16xi32> to vector<16xi32>
        tpu.vector_store %arg9[%swap3A_438], %swap3A_441 {strides = array<i32>} : memref<144xi32, #tpu.memory_space<vmem>>, vector<16xi32>,
        %shift_right_arithmetic3A_442 = arith.constant 1 : i32
        %shift_right_arithmetic3A_443 = vector.broadcast %shift_right_arithmetic3A_442 : i32 to vector<16xi32>
        %shift_right_arithmetic3A_444 = arith.shrsi %get3A_431, %shift_right_arithmetic3A_443 : vector<16xi32>
        %swap3A_445 = arith.constant 0 : index
        %swap3A_446 = tpu.vector_load %arg7[%swap3A_445] {strides = array<i32>} : memref<128xi32, #tpu.memory_space<vmem>>, vector<16xi32>,
        %swap3A_447 = vector.shape_cast %swap3A_446 : vector<16xi32> to vector<16xi32>
        %swap3A_448 = vector.shape_cast %shift_right_arithmetic3A_444 : vector<16xi32> to vector<16xi32>
        tpu.vector_store %arg7[%swap3A_445], %swap3A_448 {strides = array<i32>} : memref<128xi32, #tpu.memory_space<vmem>>, vector<16xi32>,
        %get3A_449 = arith.constant 16 : index
        %get3A_450 = tpu.vector_load %arg7[%get3A_449] {strides = array<i32>} : memref<128xi32, #tpu.memory_space<vmem>>, vector<16xi32>,
        %get3A_451 = vector.shape_cast %get3A_450 : vector<16xi32> to vector<16xi32>
        %and3A_452 = arith.constant 1 : i32
        %and3A_453 = vector.broadcast %and3A_452 : i32 to vector<16xi32>
        %and3A_454 = arith.andi %get3A_451, %and3A_453 : vector<16xi32>
        %shift_left3A_455 = arith.constant 6 : i32
        %shift_left3A_456 = vector.broadcast %shift_left3A_455 : i32 to vector<16xi32>
        %shift_left3A_457 = arith.shli %and3A_454, %shift_left3A_456 : vector<16xi32>
        %swap3A_458 = arith.constant 16 : index
        %swap3A_459 = tpu.vector_load %arg9[%swap3A_458] {strides = array<i32>} : memref<144xi32, #tpu.memory_space<vmem>>, vector<16xi32>,
        %swap3A_460 = vector.shape_cast %swap3A_459 : vector<16xi32> to vector<16xi32>
        %swap3A_461 = vector.shape_cast %shift_left3A_457 : vector<16xi32> to vector<16xi32>
        tpu.vector_store %arg9[%swap3A_458], %swap3A_461 {strides = array<i32>} : memref<144xi32, #tpu.memory_space<vmem>>, vector<16xi32>,
        %shift_right_arithmetic3A_462 = arith.constant 1 : i32
        %shift_right_arithmetic3A_463 = vector.broadcast %shift_right_arithmetic3A_462 : i32 to vector<16xi32>
        %shift_right_arithmetic3A_464 = arith.shrsi %get3A_451, %shift_right_arithmetic3A_463 : vector<16xi32>
        %swap3A_465 = arith.constant 16 : index
        %swap3A_466 = tpu.vector_load %arg7[%swap3A_465] {strides = array<i32>} : memref<128xi32, #tpu.memory_space<vmem>>, vector<16xi32>,
        %swap3A_467 = vector.shape_cast %swap3A_466 : vector<16xi32> to vector<16xi32>
        %swap3A_468 = vector.shape_cast %shift_right_arithmetic3A_464 : vector<16xi32> to vector<16xi32>
        tpu.vector_store %arg7[%swap3A_465], %swap3A_468 {strides = array<i32>} : memref<128xi32, #tpu.memory_space<vmem>>, vector<16xi32>,
        %get3A_469 = arith.constant 32 : index
        %get3A_470 = tpu.vector_load %arg7[%get3A_469] {strides = array<i32>} : memref<128xi32, #tpu.memory_space<vmem>>, vector<16xi32>,
        %get3A_471 = vector.shape_cast %get3A_470 : vector<16xi32> to vector<16xi32>
        %and3A_472 = arith.constant 1 : i32
        %and3A_473 = vector.broadcast %and3A_472 : i32 to vector<16xi32>
        %and3A_474 = arith.andi %get3A_471, %and3A_473 : vector<16xi32>
        %shift_left3A_475 = arith.constant 6 : i32
        %shift_left3A_476 = vector.broadcast %shift_left3A_475 : i32 to vector<16xi32>
        %shift_left3A_477 = arith.shli %and3A_474, %shift_left3A_476 : vector<16xi32>
        %swap3A_478 = arith.constant 32 : index
        %swap3A_479 = tpu.vector_load %arg9[%swap3A_478] {strides = array<i32>} : memref<144xi32, #tpu.memory_space<vmem>>, vector<16xi32>,
        %swap3A_480 = vector.shape_cast %swap3A_479 : vector<16xi32> to vector<16xi32>
        %swap3A_481 = vector.shape_cast %shift_left3A_477 : vector<16xi32> to vector<16xi32>
        tpu.vector_store %arg9[%swap3A_478], %swap3A_481 {strides = array<i32>} : memref<144xi32, #tpu.memory_space<vmem>>, vector<16xi32>,
        %shift_right_arithmetic3A_482 = arith.constant 1 : i32
        %shift_right_arithmetic3A_483 = vector.broadcast %shift_right_arithmetic3A_482 : i32 to vector<16xi32>
        %shift_right_arithmetic3A_484 = arith.shrsi %get3A_471, %shift_right_arithmetic3A_483 : vector<16xi32>
        %swap3A_485 = arith.constant 32 : index
        %swap3A_486 = tpu.vector_load %arg7[%swap3A_485] {strides = array<i32>} : memref<128xi32, #tpu.memory_space<vmem>>, vector<16xi32>,
        %swap3A_487 = vector.shape_cast %swap3A_486 : vector<16xi32> to vector<16xi32>
        %swap3A_488 = vector.shape_cast %shift_right_arithmetic3A_484 : vector<16xi32> to vector<16xi32>
        tpu.vector_store %arg7[%swap3A_485], %swap3A_488 {strides = array<i32>} : memref<128xi32, #tpu.memory_space<vmem>>, vector<16xi32>,
        %get3A_489 = arith.constant 48 : index
        %get3A_490 = tpu.vector_load %arg7[%get3A_489] {strides = array<i32>} : memref<128xi32, #tpu.memory_space<vmem>>, vector<16xi32>,
        %get3A_491 = vector.shape_cast %get3A_490 : vector<16xi32> to vector<16xi32>
        %and3A_492 = arith.constant 1 : i32
        %and3A_493 = vector.broadcast %and3A_492 : i32 to vector<16xi32>
        %and3A_494 = arith.andi %get3A_491, %and3A_493 : vector<16xi32>
        %shift_left3A_495 = arith.constant 6 : i32
        %shift_left3A_496 = vector.broadcast %shift_left3A_495 : i32 to vector<16xi32>
        %shift_left3A_497 = arith.shli %and3A_494, %shift_left3A_496 : vector<16xi32>
        %swap3A_498 = arith.constant 48 : index
        %swap3A_499 = tpu.vector_load %arg9[%swap3A_498] {strides = array<i32>} : memref<144xi32, #tpu.memory_space<vmem>>, vector<16xi32>,
        %swap3A_500 = vector.shape_cast %swap3A_499 : vector<16xi32> to vector<16xi32>
        %swap3A_501 = vector.shape_cast %shift_left3A_497 : vector<16xi32> to vector<16xi32>
        tpu.vector_store %arg9[%swap3A_498], %swap3A_501 {strides = array<i32>} : memref<144xi32, #tpu.memory_space<vmem>>, vector<16xi32>,
        %shift_right_arithmetic3A_502 = arith.constant 1 : i32
        %shift_right_arithmetic3A_503 = vector.broadcast %shift_right_arithmetic3A_502 : i32 to vector<16xi32>
        %shift_right_arithmetic3A_504 = arith.shrsi %get3A_491, %shift_right_arithmetic3A_503 : vector<16xi32>
        %swap3A_505 = arith.constant 48 : index
        %swap3A_506 = tpu.vector_load %arg7[%swap3A_505] {strides = array<i32>} : memref<128xi32, #tpu.memory_space<vmem>>, vector<16xi32>,
        %swap3A_507 = vector.shape_cast %swap3A_506 : vector<16xi32> to vector<16xi32>
        %swap3A_508 = vector.shape_cast %shift_right_arithmetic3A_504 : vector<16xi32> to vector<16xi32>
        tpu.vector_store %arg7[%swap3A_505], %swap3A_508 {strides = array<i32>} : memref<128xi32, #tpu.memory_space<vmem>>, vector<16xi32>,
        %get3A_509 = arith.constant 64 : index
        %get3A_510 = tpu.vector_load %arg7[%get3A_509] {strides = array<i32>} : memref<128xi32, #tpu.memory_space<vmem>>, vector<16xi32>,
        %get3A_511 = vector.shape_cast %get3A_510 : vector<16xi32> to vector<16xi32>
        %and3A_512 = arith.constant 1 : i32
        %and3A_513 = vector.broadcast %and3A_512 : i32 to vector<16xi32>
        %and3A_514 = arith.andi %get3A_511, %and3A_513 : vector<16xi32>
        %shift_left3A_515 = arith.constant 6 : i32
        %shift_left3A_516 = vector.broadcast %shift_left3A_515 : i32 to vector<16xi32>
        %shift_left3A_517 = arith.shli %and3A_514, %shift_left3A_516 : vector<16xi32>
        %swap3A_518 = arith.constant 64 : index
        %swap3A_519 = tpu.vector_load %arg9[%swap3A_518] {strides = array<i32>} : memref<144xi32, #tpu.memory_space<vmem>>, vector<16xi32>,
        %swap3A_520 = vector.shape_cast %swap3A_519 : vector<16xi32> to vector<16xi32>
        %swap3A_521 = vector.shape_cast %shift_left3A_517 : vector<16xi32> to vector<16xi32>
        tpu.vector_store %arg9[%swap3A_518], %swap3A_521 {strides = array<i32>} : memref<144xi32, #tpu.memory_space<vmem>>, vector<16xi32>,
        %shift_right_arithmetic3A_522 = arith.constant 1 : i32
        %shift_right_arithmetic3A_523 = vector.broadcast %shift_right_arithmetic3A_522 : i32 to vector<16xi32>
        %shift_right_arithmetic3A_524 = arith.shrsi %get3A_511, %shift_right_arithmetic3A_523 : vector<16xi32>
        %swap3A_525 = arith.constant 64 : index
        %swap3A_526 = tpu.vector_load %arg7[%swap3A_525] {strides = array<i32>} : memref<128xi32, #tpu.memory_space<vmem>>, vector<16xi32>,
        %swap3A_527 = vector.shape_cast %swap3A_526 : vector<16xi32> to vector<16xi32>
        %swap3A_528 = vector.shape_cast %shift_right_arithmetic3A_524 : vector<16xi32> to vector<16xi32>
        tpu.vector_store %arg7[%swap3A_525], %swap3A_528 {strides = array<i32>} : memref<128xi32, #tpu.memory_space<vmem>>, vector<16xi32>,
        %get3A_529 = arith.constant 80 : index
        %get3A_530 = tpu.vector_load %arg7[%get3A_529] {strides = array<i32>} : memref<128xi32, #tpu.memory_space<vmem>>, vector<16xi32>,
        %get3A_531 = vector.shape_cast %get3A_530 : vector<16xi32> to vector<16xi32>
        %and3A_532 = arith.constant 1 : i32
        %and3A_533 = vector.broadcast %and3A_532 : i32 to vector<16xi32>
        %and3A_534 = arith.andi %get3A_531, %and3A_533 : vector<16xi32>
        %shift_left3A_535 = arith.constant 6 : i32
        %shift_left3A_536 = vector.broadcast %shift_left3A_535 : i32 to vector<16xi32>
        %shift_left3A_537 = arith.shli %and3A_534, %shift_left3A_536 : vector<16xi32>
        %swap3A_538 = arith.constant 80 : index
        %swap3A_539 = tpu.vector_load %arg9[%swap3A_538] {strides = array<i32>} : memref<144xi32, #tpu.memory_space<vmem>>, vector<16xi32>,
        %swap3A_540 = vector.shape_cast %swap3A_539 : vector<16xi32> to vector<16xi32>
        %swap3A_541 = vector.shape_cast %shift_left3A_537 : vector<16xi32> to vector<16xi32>
        tpu.vector_store %arg9[%swap3A_538], %swap3A_541 {strides = array<i32>} : memref<144xi32, #tpu.memory_space<vmem>>, vector<16xi32>,
        %shift_right_arithmetic3A_542 = arith.constant 1 : i32
        %shift_right_arithmetic3A_543 = vector.broadcast %shift_right_arithmetic3A_542 : i32 to vector<16xi32>
        %shift_right_arithmetic3A_544 = arith.shrsi %get3A_531, %shift_right_arithmetic3A_543 : vector<16xi32>
        %swap3A_545 = arith.constant 80 : index
        %swap3A_546 = tpu.vector_load %arg7[%swap3A_545] {strides = array<i32>} : memref<128xi32, #tpu.memory_space<vmem>>, vector<16xi32>,
        %swap3A_547 = vector.shape_cast %swap3A_546 : vector<16xi32> to vector<16xi32>
        %swap3A_548 = vector.shape_cast %shift_right_arithmetic3A_544 : vector<16xi32> to vector<16xi32>
        tpu.vector_store %arg7[%swap3A_545], %swap3A_548 {strides = array<i32>} : memref<128xi32, #tpu.memory_space<vmem>>, vector<16xi32>,
        %get3A_549 = arith.constant 96 : index
        %get3A_550 = tpu.vector_load %arg7[%get3A_549] {strides = array<i32>} : memref<128xi32, #tpu.memory_space<vmem>>, vector<16xi32>,
        %get3A_551 = vector.shape_cast %get3A_550 : vector<16xi32> to vector<16xi32>
        %and3A_552 = arith.constant 1 : i32
        %and3A_553 = vector.broadcast %and3A_552 : i32 to vector<16xi32>
        %and3A_554 = arith.andi %get3A_551, %and3A_553 : vector<16xi32>
        %shift_left3A_555 = arith.constant 6 : i32
        %shift_left3A_556 = vector.broadcast %shift_left3A_555 : i32 to vector<16xi32>
        %shift_left3A_557 = arith.shli %and3A_554, %shift_left3A_556 : vector<16xi32>
        %swap3A_558 = arith.constant 96 : index
        %swap3A_559 = tpu.vector_load %arg9[%swap3A_558] {strides = array<i32>} : memref<144xi32, #tpu.memory_space<vmem>>, vector<16xi32>,
        %swap3A_560 = vector.shape_cast %swap3A_559 : vector<16xi32> to vector<16xi32>
        %swap3A_561 = vector.shape_cast %shift_left3A_557 : vector<16xi32> to vector<16xi32>
        tpu.vector_store %arg9[%swap3A_558], %swap3A_561 {strides = array<i32>} : memref<144xi32, #tpu.memory_space<vmem>>, vector<16xi32>,
        %shift_right_arithmetic3A_562 = arith.constant 1 : i32
        %shift_right_arithmetic3A_563 = vector.broadcast %shift_right_arithmetic3A_562 : i32 to vector<16xi32>
        %shift_right_arithmetic3A_564 = arith.shrsi %get3A_551, %shift_right_arithmetic3A_563 : vector<16xi32>
        %swap3A_565 = arith.constant 96 : index
        %swap3A_566 = tpu.vector_load %arg7[%swap3A_565] {strides = array<i32>} : memref<128xi32, #tpu.memory_space<vmem>>, vector<16xi32>,
        %swap3A_567 = vector.shape_cast %swap3A_566 : vector<16xi32> to vector<16xi32>
        %swap3A_568 = vector.shape_cast %shift_right_arithmetic3A_564 : vector<16xi32> to vector<16xi32>
        tpu.vector_store %arg7[%swap3A_565], %swap3A_568 {strides = array<i32>} : memref<128xi32, #tpu.memory_space<vmem>>, vector<16xi32>,
        %get3A_569 = arith.constant 112 : index
        %get3A_570 = tpu.vector_load %arg7[%get3A_569] {strides = array<i32>} : memref<128xi32, #tpu.memory_space<vmem>>, vector<16xi32>,
        %get3A_571 = vector.shape_cast %get3A_570 : vector<16xi32> to vector<16xi32>
        %and3A_572 = arith.constant 1 : i32
        %and3A_573 = vector.broadcast %and3A_572 : i32 to vector<16xi32>
        %and3A_574 = arith.andi %get3A_571, %and3A_573 : vector<16xi32>
        %shift_left3A_575 = arith.constant 6 : i32
        %shift_left3A_576 = vector.broadcast %shift_left3A_575 : i32 to vector<16xi32>
        %shift_left3A_577 = arith.shli %and3A_574, %shift_left3A_576 : vector<16xi32>
        %swap3A_578 = arith.constant 112 : index
        %swap3A_579 = tpu.vector_load %arg9[%swap3A_578] {strides = array<i32>} : memref<144xi32, #tpu.memory_space<vmem>>, vector<16xi32>,
        %swap3A_580 = vector.shape_cast %swap3A_579 : vector<16xi32> to vector<16xi32>
        %swap3A_581 = vector.shape_cast %shift_left3A_577 : vector<16xi32> to vector<16xi32>
        tpu.vector_store %arg9[%swap3A_578], %swap3A_581 {strides = array<i32>} : memref<144xi32, #tpu.memory_space<vmem>>, vector<16xi32>,
        %shift_right_arithmetic3A_582 = arith.constant 1 : i32
        %shift_right_arithmetic3A_583 = vector.broadcast %shift_right_arithmetic3A_582 : i32 to vector<16xi32>
        %shift_right_arithmetic3A_584 = arith.shrsi %get3A_571, %shift_right_arithmetic3A_583 : vector<16xi32>
        %swap3A_585 = arith.constant 112 : index
        %swap3A_586 = tpu.vector_load %arg7[%swap3A_585] {strides = array<i32>} : memref<128xi32, #tpu.memory_space<vmem>>, vector<16xi32>,
        %swap3A_587 = vector.shape_cast %swap3A_586 : vector<16xi32> to vector<16xi32>
        %swap3A_588 = vector.shape_cast %shift_right_arithmetic3A_584 : vector<16xi32> to vector<16xi32>
        tpu.vector_store %arg7[%swap3A_585], %swap3A_588 {strides = array<i32>} : memref<128xi32, #tpu.memory_space<vmem>>, vector<16xi32>,
        %dma_start3A_589 = arith.constant 0 : i32
        %dma_start3A_590 = arith.constant 0 : i32
        %dma_start3A_591 = tpu.memref_slice %arg11[%dma_start3A_589, %dma_start3A_590] : memref<128x128xf32, #tpu.memory_space<vmem>> -> memref<128x128xf32, #tpu.memory_space<vmem>>
        %dma_start3A_592 = arith.constant 0 : i32
        %dma_start3A_593 = tpu.memref_slice %arg7[%dma_start3A_592] : memref<128xi32, #tpu.memory_space<vmem>> -> memref<128xi32, #tpu.memory_space<vmem>>
        %dma_start3A_594 = arith.constant 0 : i32
        %dma_start3A_595 = arith.constant 0 : i32
        %dma_start3A_596 = tpu.memref_slice %arg3[%dma_start3A_594, %dma_start3A_595] : memref<500000x128xf32, #tpu.memory_space<hbm>> -> memref<500000x128xf32, #tpu.memory_space<hbm>>
        tpu.enqueue_indirect_dma source(%dma_start3A_596 : memref<500000x128xf32, #tpu.memory_space<hbm>>) target(%dma_start3A_591 : memref<128x128xf32, #tpu.memory_space<vmem>>) offsets(%dma_start3A_593 : memref<128xi32, #tpu.memory_space<vmem>>) semaphore(%arg16 : memref<!tpu.dma_semaphore, #tpu.memory_space<semaphore_mem>>)
      } else {
      }
    }
    %scan3A_343 = arith.constant 100 : i32
    %add3A_344 = arith.constant 25344 : i32
    %add3A_345 = arith.addi %mul3A_2, %add3A_344 : i32
    %dma_wait3A = arith.constant 0 : i32
    %dma_wait3A_346 = tpu.memref_slice %arg5[%add3A_345, %dma_wait3A] : memref<819200x64xf32, #tpu.memory_space<hbm>> -> memref<128x64xf32, #tpu.memory_space<hbm>>
    %dma_wait3A_347 = arith.constant 0 : i32
    %dma_wait3A_348 = tpu.memref_slice %arg5[%add3A_345, %dma_wait3A_347] : memref<819200x64xf32, #tpu.memory_space<hbm>> -> memref<128x64xf32, #tpu.memory_space<hbm>>
    tpu.wait_dma2 semaphore(%arg17 : memref<!tpu.dma_semaphore, #tpu.memory_space<semaphore_mem>>) src(%arg12 : memref<128x64xf32, #tpu.memory_space<vmem>>) dst(%dma_wait3A_348 : memref<128x64xf32, #tpu.memory_space<hbm>>)
    %add3A_349 = arith.constant 25472 : i32
    %add3A_350 = arith.addi %mul3A_2, %add3A_349 : i32
    %dma_wait3A_351 = arith.constant 0 : i32
    %dma_wait3A_352 = tpu.memref_slice %arg5[%add3A_350, %dma_wait3A_351] : memref<819200x64xf32, #tpu.memory_space<hbm>> -> memref<128x64xf32, #tpu.memory_space<hbm>>
    %dma_wait3A_353 = arith.constant 0 : i32
    %dma_wait3A_354 = tpu.memref_slice %arg5[%add3A_350, %dma_wait3A_353] : memref<819200x64xf32, #tpu.memory_space<hbm>> -> memref<128x64xf32, #tpu.memory_space<hbm>>
    tpu.wait_dma2 semaphore(%arg18 : memref<!tpu.dma_semaphore, #tpu.memory_space<semaphore_mem>>) src(%arg13 : memref<128x64xf32, #tpu.memory_space<vmem>>) dst(%dma_wait3A_354 : memref<128x64xf32, #tpu.memory_space<hbm>>)
    return
  }
}

</mosaic_0001>

<sc_bundles>
// kernel: kernel.3.cloned.1.call-start
scs
__scs_entry_jumppad:
0x0: {  	(pc) =	sbr.rel $0x88, $3  }
0x1: {  	(tag) =	ssettag $0x0;
	lr =	simm.s32 $0x1  }
0x2: {  	[smem:$0x3F9E] =	sst lr;
	_ =	strace $0xD0000000  }
0x3: {  	_ = 	snop  }
0x4: {  	_ = 	snop  }
0x5: {  	_ = 	snop  }
0x6: {  	_ = 	snop  }
0x7: {  	_ = 	snop  }
__scs_overlays_trampoline_lowered:
0x8: {  	[smem:$0x3FAD] =	sst s0  }
0x9: {  	[smem:$0x3FAE] =	sst s1  }
0xa: {  	[smem:$0x3FAF] =	sst s2  }
0xb: {  	[smem:$0x3FB0] =	sst s3  }
0xc: {  	[smem:$0x3FB1] =	sst s4  }
0xd: {  	[smem:$0x3FB2] =	sst s5  }
0xe: {  	[smem:$0x3FB3] =	sst s6  }
0xf: {  	[smem:$0x3FB4] =	sst s7  }
0x10: {  	[smem:$0x3FB5] =	sst s8  }
0x11: {  	[smem:$0x3FB6] =	sst s9;
	s0 =	simm.s32 @!p0 $0x0  }
0x12: {  	s1 =	sld [smem:$0x3F9C];
	s0 =	simm.s32 @p0 $0x1  }
0x13: {  	[smem:$0x3FB7] =	sst s0;
	s0 =	simm.s32 @!p1 $0x0  }
0x14: {  	s2 =	sld [smem:$0x3F9B];
	s0 =	simm.s32 @p1 $0x1  }
0x15: {  	[smem:$0x3FB8] =	sst s0;
	s0 =	simm.s32 @!p2 $0x0  }
0x16: {  	s3 =	sld [smem:$0x3FDB];
	s0 =	simm.s32 @p2 $0x1  }
0x17: {  	s4 =	simm.s32 $0x1BF5;
	[smem:$0x3FBA] =	sst s0  }
0x18: {  	s0 =	sld [smem:$0x3F9D];
	_ =	swait.ge [sflag:s4], $0x0  }
0x19: {  	s7 =	sld [smem:$0x3F9E]  }
0x1a: {  	s8 =	sadd.s32 $0xFFFFE003, lr  }
0x1b: {  	s9 =	sadd.s32 $0xFFFFFEF7, lr;
	s5 =	simm.s32 $0xFFFFFFFF;
	p2 =	slt.u32 s8, $0xFFFFF086  }
0x1c: {  	p1 =	slt.u32 s9, $0xF7A;
	s5 =	simm.s32 @!p2 $0x0  }
0x1d: {  	s5 =	simm.s32 @p1 $0x1;
	p0 =	seq.s32 s7, s2  }
0x1e: {  	s7 =	smul.u32 @!p0 $0xF7A, s2;
	p2 =	seq.s32 @!p0 s5, $0x0  }
0x1f: {  	s9 =	smul.u32 $0xF7A, s1;
	s8 =	simm.s32 @!p0 $0x1BF5;
	p2 =	por !p2, p0  }
0x20: {  	[sflag:s8] =	ssyncset.s32 @!p0 $0xFFFFF086;
	s6 =	sadd.s32 @!p0 s3, s7;
	s7 =	simm.s32 @!p0 $0x108  }
0x21: {  	s3 =	sadd.s32 s3, s9;
	s6 =	sadd.s32 @!p0 $0x88, s6;
	s7 =	simm.s32 @p2 $0x1082  }
0x22: {  	[simem:s7], [sflag:s8] =	dma.local @!p0 [hbm:s6], $0xF7A  }
0x23: {  	s9 =	sor.u32 $0xD0000000, s2;
	s6 =	simm.s32 $0x108;
	_ =	swait.ge @!p0 [sflag:s8], $0x0  }
0x24: {  	s3 =	sadd.s32 $0x88, s3;
	s6 =	simm.s32 @!p1 $0x1082;
	[sflag:s4] =	ssyncset.s32 $0xFFFFF086  }
0x25: {  	[simem:s6], [sflag:s4] =	dma.local [hbm:s3], $0xF7A  }
0x26: {  	[smem:$0x3F9E] =	sst s1;
	(tag) =	ssettag s2;
	_ =	strace s9  }
0x27: {  	s1 =	sld [smem:$0x3FAE]  }
0x28: {  	s2 =	sld [smem:$0x3FAF]  }
0x29: {  	s4 =	sld [smem:$0x3FB1]  }
0x2a: {  	p0 =	seq.s32 s5, $0x0;
	s5 =	sld [smem:$0x3FB2]  }
0x2b: {  	s6 =	sld [smem:$0x3FB3]  }
0x2c: {  	s7 =	sld [smem:$0x3FB4]  }
0x2d: {  	s3 =	simm.s32 $0x108;
	s8 =	sld [smem:$0x3FB5]  }
0x2e: {  	s3 =	simm.s32 @!p0 $0x1082;
	s9 =	sld [smem:$0x3FB6]  }
0x2f: {  	lr =	sadd.s32 s0, s3;
	s0 =	sld [smem:$0x3FAD]  }
0x30: {  	s3 =	sld [smem:$0x3FB0]  }
0x31: {  	[smem:$0x3FB9] =	sst s10  }
0x32: {  	s10 =	sld [smem:$0x3FB7];
	_ =	sdelay $0x3  }
0x33: {  	p0 =	seq.s32 s10, $0x1;
	s10 =	sld [smem:$0x3FB9];
	_ =	sdelay $0x3  }
0x34: {  	[smem:$0x3FB9] =	sst s10  }
0x35: {  	s10 =	sld [smem:$0x3FB8];
	_ =	sdelay $0x3  }
0x36: {  	p1 =	seq.s32 s10, $0x1;
	s10 =	sld [smem:$0x3FB9];
	_ =	sdelay $0x3  }
0x37: {  	[smem:$0x3FB9] =	sst s10  }
0x38: {  	s10 =	sld [smem:$0x3FBA]  }
0x39: {  	_ = 	snop;
	(pc) =	sbr.ind lr, $3  }
0x3a: {  	_ = 	snop  }
0x3b: {  	_ = 	snop  }
0x3c: {  	p2 =	seq.s32 s10, $0x1;
	s10 =	sld [smem:$0x3FB9]  }
0x3d: {  	_ =	shalt  }
0x3e: {  	_ =	shalt  }
0x3f: {  	_ =	shalt  }
0x40: {  	_ =	shalt  }
0x41: {  	_ =	shalt  }
0x42: {  	_ =	shalt  }
0x43: {  	_ =	shalt  }
0x44: {  	_ =	shalt  }
0x45: {  	_ =	shalt  }
0x46: {  	_ =	shalt  }
0x47: {  	_ =	shalt  }
0x48: {  	_ =	shalt  }
0x49: {  	_ =	shalt  }
0x4a: {  	_ =	shalt  }
0x4b: {  	_ =	shalt  }
0x4c: {  	_ =	shalt  }
0x4d: {  	_ =	shalt  }
0x4e: {  	_ =	shalt  }
0x4f: {  	_ =	shalt  }
0x50: {  	_ =	shalt  }
0x51: {  	_ =	shalt  }
0x52: {  	_ =	shalt  }
0x53: {  	_ =	shalt  }
0x54: {  	_ =	shalt  }
0x55: {  	_ =	shalt  }
0x56: {  	_ =	shalt  }
0x57: {  	_ =	shalt  }
0x58: {  	_ =	shalt  }
0x59: {  	_ =	shalt  }
0x5a: {  	_ =	shalt  }
0x5b: {  	_ =	shalt  }
0x5c: {  	_ =	shalt  }
0x5d: {  	_ =	shalt  }
0x5e: {  	_ =	shalt  }
0x5f: {  	_ =	shalt  }
0x60: {  	_ =	shalt  }
0x61: {  	_ =	shalt  }
0x62: {  	_ =	shalt  }
0x63: {  	_ =	shalt  }
0x64: {  	_ =	shalt  }
0x65: {  	_ =	shalt  }
0x66: {  	_ =	shalt  }
0x67: {  	_ =	shalt  }
0x68: {  	_ =	shalt  }
0x69: {  	_ =	shalt  }
0x6a: {  	_ =	shalt  }
0x6b: {  	_ =	shalt  }
0x6c: {  	_ =	shalt  }
0x6d: {  	_ =	shalt  }
0x6e: {  	_ =	shalt  }
0x6f: {  	_ =	shalt  }
0x70: {  	_ =	shalt  }
0x71: {  	_ =	shalt  }
0x72: {  	_ =	shalt  }
0x73: {  	_ =	shalt  }
0x74: {  	_ =	shalt  }
0x75: {  	_ =	shalt  }
0x76: {  	_ =	shalt  }
0x77: {  	_ =	shalt  }
0x78: {  	_ =	shalt  }
0x79: {  	_ =	shalt  }
0x7a: {  	_ =	shalt  }
0x7b: {  	_ =	shalt  }
0x7c: {  	_ =	shalt  }
0x7d: {  	_ =	shalt  }
0x7e: {  	_ =	shalt  }
0x7f: {  	_ =	shalt  }
0x80: {  	_ =	shalt  }
0x81: {  	_ =	shalt  }
0x82: {  	_ =	shalt  }
0x83: {  	_ =	shalt  }
0x84: {  	_ =	shalt  }
0x85: {  	_ =	shalt  }
0x86: {  	_ =	shalt  }
0x87: {  	_ =	shalt  }
.Lfunc_end0:
.L_simem_size_0:
called_computation.1_lowered:
.L_overlay_start_0:
0x88: {  	s2 =	sld [smem:$0x3FD9]  }
0x89: {  	s3 =	sld [smem:$0x3FFE];
	_ =	sdelay $0x1  }
0x8a: {  	s1 =	srdreg.scid  }
0x8b: {  	s0 =	sand.u32 $0x1, s1  }
0x8c: {  	s17 =	sshll.u32 s0, $0xA;
	s2 =	sadd.s32 s3, s2  }
0x8d: {  	s2 =	sadd.s32 s2, s17  }
0x8e: {  	[smem:$0x3FC5] =	sst s2  }
0x8f: {  	_ = 	snop  }
0x90: {  	s2 =	sld [smem:$0x3FD0];
	(tm) =	ssettm $0x1  }
0x91: {  	s18 =	sld [smem:$0x3FFB];
	_ =	sdelay $0x3  }
0x92: {  	_ =	strace s18  }
0x93: {  	s3 =	sld [smem:$0x3FFC];
	_ =	sdelay $0x3  }
0x94: {  	_ =	strace s3  }
0x95: {  	s3 =	sld [smem:$0x3FFD];
	_ =	sdelay $0x3  }
0x96: {  	_ =	strace s3  }
0x97: {  	_ =	strace $0x8FFFFFFF  }
0x98: {  	s19 =	sld [smem:$0x3FDB];
	_ =	sdelay $0x1  }
0x99: {  	s4 =	simm.s32 $_scs_section_size  }
0x9a: {  	s5 =	simm.s32 $_size__tile_overlayer_lowered;
	s6 =	simm.s32 $_tile_overlayer_lowered  }
0x9b: {  	s22 =	simm.s32 $0x1BFF;
	s21 =	sshll.u32 s6, $0x1;
	s3 =	sadd.s32 s4, s19  }
0x9c: {  	s7 =	simm.s32 $0x0;
	s20 =	sshll.u32 s5, $0x1;
	s5 =	sadd.s32 s21, s3  }
0x9d: {  	[timem:s7], [sflag:s22] =	dma.local [hbm:s5], s20  }
0x9e: {  	_ =	swait.ge [sflag:s22], s20  }
0x9f: {  	s4 =	ssub.s32 $0x0, s20;
	[sflag:s22] =	ssyncset.done $0x0  }
0xa0: {  	[sflag:s22] =	ssyncadd.s32 s4;
	_ =	sdelay $0x1  }
0xa1: {  	s23 =	simm.s32 $0x1B8B  }
0xa2: {  	_ =	swait.ge [sflag:s23], $0x1  }
0xa3: {  	[sflag:s23] =	ssyncset.done $0x0  }
0xa4: {  	s25 =	simm.s32 $0x1B8E;
	s24 =	sld [smem:$0x3FFE];
	[sflag:s23] =	ssyncadd.s32 $0xFFFFFFFF  }
0xa5: {  	s26 =	simm.s32 $execute0_lowered;
	[smem:$0x3FD2] =	sst s25  }
0xa6: {  	s5 =	sshll.u32 s26, $0x1;
	_ =	strace $0x80000046;
	[dreg:$0x1] =	wrdreg $0xFFFFFFFF  }
0xa7: {  	s28 =	simm.s32 $_size_execute0_lowered;
	s3 =	sadd.s32 s3, s5;
	[dreg:$0x0] =	wrdreg $0x0  }
0xa8: {  	s5 =	sshll.u32 s28, $0x1;
	[dreg:$0x2] =	wrdreg s3  }
0xa9: {  	[dreg:$0x3] =	wrdreg s5  }
0xaa: {  	[dreg:$0x4] =	wrdreg $0xC0  }
0xab: {  	_ =	task [dreg:s7], $0x5FFFF  }
0xac: {  	[dreg:$0x1] =	wrdreg $0xFFFFFFFF  }
0xad: {  	[dreg:$0x0] =	wrdreg $0x60  }
0xae: {  	[dreg:$0x2] =	wrdreg s2  }
0xaf: {  	[dreg:$0x3] =	wrdreg s24  }
0xb0: {  	[dreg:$0x4] =	wrdreg $0x9  }
0xb1: {  	_ =	task.clear_ibuf [dreg:s7], $0x5FFFF;
	_ =	strace $0x90000046  }
0xb2: {  	s29 =	simm.s32 $0x9;
	_ =	strace $0x80000048  }
0xb3: {  	_ =	swait.ge [sflag:s29], $0x1  }
0xb4: {  	[sflag:s29] =	ssyncadd.s32 $0xFFFFFFFF  }
0xb5: {  	_ =	strace $0x90000048  }
0xb6: {  	_ =	sfence  }
0xb7: {  	s30 =	sld [smem:$0x0];
	_ =	sdelay $0x2  }
0xb8: {  	s31 =	sshll.u32 s1, $0xD;
	s1 =	sshrl.u32 s1, $0x2  }
0xb9: {  	s3 =	sand.u32 $0x4000, s31;
	s1 =	sadd.s32 s1, s30  }
0xba: {  	s0 =	sor.u32 s3, s0;
	s1 =	sshll.u32 s1, $0x11  }
0xbb: {  	s0 =	sor.u32 s1, s0  }
0xbc: {  	s0 =	sadd.s32 $0x8F2B, s0  }
0xbd: {  	[sflag:s0] =	ssyncadd.remote.s32 $0x1  }
0xbe: {  	_ =	sfence.sel $0xFFFF  }
0xbf: {  	[dreg:$0x0] =	wrdreg $0xFFFFFFFF;
	(pc) =	sbr.abs _section_cstart, $3  }
0xc0: {  	[dreg:$0x1] =	wrdreg $0xFFFFFFFF  }
0xc1: {  	_ =	task.clear_ibuf [dreg:s7], $0x2FFFF;
	_ =	strace $0x9FFFFFFF  }
0xc2: {  	(tm) =	ssettm $0x7FFFFFFF  }
0xc3: {  	_ =	shalt  }
tec
execute0_lowered:
.L_overlay_start_1:
0x0: {  	(tag) =	ssettag $0x1  }
0x1: {  	s2 =	rddreg [dreg:$0x0]  }
0x2: {  	s1 =	srdreg.scid;
	s0 =	stileid.u32  }
0x3: {  	s6 =	rddreg [dreg:$0x1];
	s3 =	simm.s32 $0x0;
	s15 =	simm.s32 $0x5  }
0x4: {  	s16 =	simm.s32 $0x80;
	s17 =	simm.s32 $0x300;
	s18 =	simm.s32 $0x4300  }
0x5: {  	s19 =	simm.s32 $0x1;
	s20 =	simm.s32 $0x8300;
	s21 =	simm.s32 $0x2  }
0x6: {  	s22 =	simm.s32 $0x4;
	s23 =	simm.s32 $0xC300;
	s24 =	simm.s32 $0x3  }
0x7: {  	s5 =	sand.u32 $0x1, s1;
	s4 =	sshll.u32 s0, $0x1;
	[smem:$0x7FF] =	sst s3  }
0x8: {  	s25 =	simm.s32 $0x0;
	s9 =	sor.u32 s5, s4;
	_ =	strace $0x80000047  }
0x9: {  	s30 =	sadd.s32 $0xA00, s6;
	s4 =	sadd.s32 $0xF42E00, s6;
	s12 =	smul.u32 $0x6400, s9  }
.Ltmp0:
0xa: {  	s7 =	ssub.s32 $0x2, s5;
	[dreg:$0x3] =	wrdreg s30;
	(pc) =	sbr.rel .LBB2_1-.Ltmp0, $4  }
0xb: {  	s6 =	sadd.s32 $0xC00, s6;
	s8 =	sshrl.u32 s7, $0x1;
	s10 =	sshrl.u32 s12, $0x3  }
0xc: {  	s9 =	smul.u32 $0x320000, s9;
	s13 =	ssub.s32 s7, s8;
	s7 =	sadd.s32 s2, s10  }
0xd: {  	s11 =	sor.u32 $0x80, s12;
	s13 =	smax.u32 s13, $0x1;
	s31 =	sadd.s32 $0x10, s7  }
0xe: {  	s10 =	sor.u32 $0x100, s12;
	s12 =	sor.u32 $0x180, s12;
	[dreg:$0x4] =	wrdreg s31  }
.LBB2_12:
0xf: {  	s25 =	sadd.s32 $0x1, s25  }
0x10: {  	_ =	swait.ge [sflag:s24], $0x4000;
	p0 =	sne.s32 s25, s13  }
.Ltmp1:
0x11: {  	[sflag:s24] =	ssyncset.done $0x0;
	(pc) =	sbr.rel @!p0 .LBB2_13-.Ltmp1, $4  }
0x12: {  	[sflag:s24] =	ssyncadd.s32 $0xFFFFC000  }
0x13: {  	_ =	swait.ge [sflag:s22], $0x4000  }
0x14: {  	[sflag:s22] =	ssyncset.done $0x0  }
0x15: {  	[sflag:s22] =	ssyncadd.s32 $0xFFFFC000  }
.LBB2_1:
0x16: {  	s0 =	rddreg [dreg:$0x3];
	s1 =	simm.s32 $0x10300  }
0x17: {  	[tilespmem:s1], [sflag:$0x5] =	stream.linear.gather [hbm4b:s0+s3], $0x80, $0x38;
	[tilespmem:$0x10380] =	vst v63  }
0x18: {  	_ =	swait.ge [sflag:s15], $0x80  }
0x19: {  	[sflag:s15] =	ssyncset.done $0x0  }
0x1a: {  	[sflag:s15] =	ssyncadd.s32 $0xFFFFFF80  }
0x1b: {  	v0 =	vld [tilespmem:$0x10300];
	[tilespmem:s3], [sflag:$0x5] =	stream.linear.gather [hbm4b:s7+s3], $0x80, $0x38  }
0x1c: {  	_ =	swait.ge [sflag:s15], $0x80  }
0x1d: {  	[sflag:s15] =	ssyncset.done $0x0  }
0x1e: {  	[sflag:s15] =	ssyncadd.s32 $0xFFFFFF80  }
0x1f: {  	v1 =	vld [tilespmem:$0x0]  }
0x20: {  	v2 =	vld [tilespmem:$0x10];
	_ =	sdelay $0x1  }
0x21: {  	v3 =	vld [tilespmem:$0x20];
	_ =	sdelay $0x1  }
0x22: {  	v5 =	vld [tilespmem:$0x30];
	v4 =	vshll.u32 v1, $0x6;
	v1 =	vshra.s32 v1, $0x1  }
0x23: {  	v52 =	vshll.u32 v2, $0x6;
	v4 =	vand.u32 $0x40, v4;
	[tilespmem:$0x0] =	vst v1  }
0x24: {  	v53 =	vld [tilespmem:$0x40];
	v1 =	vand.u32 $0x40, v52;
	[tilespmem:$0x100] =	vst v4  }
0x25: {  	[tilespmem:$0x110] =	vst v1;
	v1 =	vshra.s32 v2, $0x1;
	v2 =	vshll.u32 v3, $0x6  }
0x26: {  	[tilespmem:$0x10] =	vst v1;
	v1 =	vand.u32 $0x40, v2;
	v2 =	vld [tilespmem:$0x50]  }
0x27: {  	[tilespmem:$0x120] =	vst v1;
	v1 =	vshra.s32 v3, $0x1;
	v3 =	vshll.u32 v5, $0x6  }
0x28: {  	[tilespmem:$0x20] =	vst v1;
	v1 =	vand.u32 $0x40, v3;
	v3 =	vld [tilespmem:$0x60]  }
0x29: {  	v54 =	vshll.u32 v53, $0x6;
	[tilespmem:$0x130] =	vst v1;
	v1 =	vshra.s32 v5, $0x1  }
0x2a: {  	v55 =	vld [tilespmem:$0x70];
	[tilespmem:$0x30] =	vst v1;
	v1 =	vand.u32 $0x40, v54  }
0x2b: {  	[tilespmem:$0x140] =	vst v1;
	v1 =	vshra.s32 v53, $0x1;
	v56 =	vshll.u32 v2, $0x6  }
0x2c: {  	[tilespmem:$0x40] =	vst v1;
	v1 =	vand.u32 $0x40, v56  }
0x2d: {  	[tilespmem:$0x150] =	vst v1;
	v1 =	vshra.s32 v2, $0x1;
	v2 =	vshll.u32 v3, $0x6  }
0x2e: {  	[tilespmem:$0x50] =	vst v1;
	v1 =	vand.u32 $0x40, v2  }
0x2f: {  	v2 =	vshll.u32 v55, $0x6;
	[tilespmem:$0x160] =	vst v1;
	v1 =	vshra.s32 v3, $0x1  }
0x30: {  	[tilespmem:$0x60] =	vst v1;
	v1 =	vand.u32 $0x40, v2  }
0x31: {  	[tilespmem:$0x170] =	vst v1;
	v1 =	vshra.s32 v55, $0x1  }
0x32: {  	[tilespmem:$0x70] =	vst v1  }
0x33: {  	[tilespmem:s17], [sflag:$0x1] =	stream.indirect.gather [hbm4b:s4+s16], $0x80, s3, s16, $0xb8;
	[tilespmem:$0x10380] =	vst v63  }
0x34: {  	s31 =	rddreg [dreg:$0x4]  }
0x35: {  	[tilespmem:s16], [sflag:$0x5] =	stream.linear.gather [hbm4b:s31+s3], $0x80, $0x38;
	[tilespmem:$0x10380] =	vst v63  }
0x36: {  	_ =	swait.ge [sflag:s15], $0x80  }
0x37: {  	[sflag:s15] =	ssyncset.done $0x0  }
0x38: {  	[sflag:s15] =	ssyncadd.s32 $0xFFFFFF80  }
0x39: {  	v1 =	vld [tilespmem:$0x80]  }
0x3a: {  	v2 =	vld [tilespmem:$0x90];
	_ =	sdelay $0x1  }
0x3b: {  	v3 =	vld [tilespmem:$0xA0];
	_ =	sdelay $0x1  }
0x3c: {  	v58 =	vld [tilespmem:$0xB0];
	v57 =	vshll.u32 v1, $0x6;
	v1 =	vshra.s32 v1, $0x1  }
0x3d: {  	v59 =	vshll.u32 v2, $0x6;
	v4 =	vand.u32 $0x40, v57;
	[tilespmem:$0x80] =	vst v1  }
0x3e: {  	v60 =	vld [tilespmem:$0xC0];
	v1 =	vand.u32 $0x40, v59;
	[tilespmem:$0x200] =	vst v4  }
0x3f: {  	[tilespmem:$0x210] =	vst v1;
	v1 =	vshra.s32 v2, $0x1;
	v2 =	vshll.u32 v3, $0x6  }
0x40: {  	[tilespmem:$0x90] =	vst v1;
	v1 =	vand.u32 $0x40, v2;
	v2 =	vld [tilespmem:$0xD0]  }
0x41: {  	[tilespmem:$0x220] =	vst v1;
	v1 =	vshra.s32 v3, $0x1;
	v3 =	vshll.u32 v58, $0x6  }
0x42: {  	[tilespmem:$0xA0] =	vst v1;
	v1 =	vand.u32 $0x40, v3;
	v3 =	vld [tilespmem:$0xE0]  }
0x43: {  	v61 =	vshll.u32 v60, $0x6;
	[tilespmem:$0x230] =	vst v1;
	v1 =	vshra.s32 v58, $0x1  }
0x44: {  	v62 =	vld [tilespmem:$0xF0];
	[tilespmem:$0xB0] =	vst v1;
	v1 =	vand.u32 $0x40, v61  }
0x45: {  	[tilespmem:$0x240] =	vst v1;
	v1 =	vshra.s32 v60, $0x1;
	v63 =	vshll.u32 v2, $0x6  }
0x46: {  	[tilespmem:$0xC0] =	vst v1;
	v1 =	vand.u32 $0x40, v63  }
0x47: {  	[tilespmem:$0x250] =	vst v1;
	v1 =	vshra.s32 v2, $0x1;
	v2 =	vshll.u32 v3, $0x6  }
0x48: {  	[tilespmem:$0xD0] =	vst v1;
	v1 =	vand.u32 $0x40, v2  }
0x49: {  	v2 =	vshll.u32 v62, $0x6;
	[tilespmem:$0x260] =	vst v1;
	v1 =	vshra.s32 v3, $0x1  }
0x4a: {  	[tilespmem:$0xE0] =	vst v1;
	v1 =	vand.u32 $0x40, v2  }
0x4b: {  	[tilespmem:$0x270] =	vst v1;
	v1 =	vshra.s32 v62, $0x1  }
0x4c: {  	s26 =	simm.s32 $0x0;
	[tilespmem:$0xF0] =	vst v1  }
0x4d: {  	[tilespmem:s18], [sflag:$0x2] =	stream.indirect.gather [hbm4b:s4+s16], $0x80, s16, s16, $0xb8;
	[tilespmem:$0x10380] =	vst v63  }
.LBB2_2:
0x4e: {  	_ =	swait.ge [sflag:s19], $0x4000  }
0x4f: {  	p0 =	seq.s32 s26, $0x0;
	[sflag:s19] =	ssyncset.done $0x0  }
0x50: {  	s28 =	simm.s32 @!p0 $0x3;
	[sflag:s19] =	ssyncadd.s32 $0xFFFFC000  }
0x51: {  	_ =	swait.ge @!p0 [sflag:s28], $0x4000  }
0x52: {  	[sflag:s28] =	ssyncset.done @!p0 $0x0  }
0x53: {  	s29 =	simm.s32 $0x100;
	[sflag:s28] =	ssyncadd.s32 @!p0 $0xFFFFC000  }
0x54: {  	v1 =	vld [tilespmem:s29+$0x0];
	_ =	sdelay $0x4  }
0x55: {  	(v2sf) =	vpush v1, $0x0;
	_ =	sdelay $0xe  }
0x56: {  	s28 =	spop (v2sf)  }
0x57: {  	s30 =	sand.u32 $0x7F, s28;
	s31 =	sshll.u32 s28, $0x2  }
0x58: {  	s31 =	sand.u32 $0xFFFFFE00, s31;
	s30 =	sshll.u32 s30, $0x2  }
0x59: {  	s30 =	sor.u32 s30, s31  }
0x5a: {  	s30 =	sshra.s32 s30, $0x2  }
0x5b: {  	s30 =	sadd.s32 $0x0, s30  }
0x5c: {  	v1 =	vld [tilespmem:s30+$0x300];
	_ =	sdelay $0x1  }
0x5d: {  	s30 =	sadd.s32 $0x10, s28  }
0x5e: {  	s31 =	sand.u32 $0x7F, s30;
	s30 =	sshll.u32 s30, $0x2  }
0x5f: {  	s31 =	sshll.u32 s31, $0x2;
	s30 =	sand.u32 $0xFFFFFE00, s30  }
0x60: {  	s31 =	sor.u32 s31, s30;
	v1 =	vmul.f32 v1, v0  }
0x61: {  	s30 =	simm.s32 $0x0;
	s31 =	sshra.s32 s31, $0x2  }
0x62: {  	s31 =	sadd.s32 $0x0, s31;
	[tilespmem:s30+$0x8300] =	vst v1  }
0x63: {  	v1 =	vld [tilespmem:s31+$0x300];
	_ =	sdelay $0x1  }
0x64: {  	s31 =	sadd.s32 $0x20, s28  }
0x65: {  	s1 =	sand.u32 $0x7F, s31;
	s31 =	sshll.u32 s31, $0x2  }
0x66: {  	s1 =	sshll.u32 s1, $0x2;
	s31 =	sand.u32 $0xFFFFFE00, s31  }
0x67: {  	s1 =	sor.u32 s1, s31;
	v1 =	vmul.f32 v1, v0  }
0x68: {  	s1 =	sshra.s32 s1, $0x2  }
0x69: {  	s1 =	sadd.s32 $0x0, s1;
	[tilespmem:s30+$0x8310] =	vst v1  }
0x6a: {  	v1 =	vld [tilespmem:s1+$0x300];
	_ =	sdelay $0x1  }
0x6b: {  	s14 =	sadd.s32 $0x30, s28  }
0x6c: {  	s28 =	sand.u32 $0x7F, s14;
	s1 =	sshll.u32 s14, $0x2  }
0x6d: {  	s28 =	sshll.u32 s28, $0x2;
	s1 =	sand.u32 $0xFFFFFE00, s1  }
0x6e: {  	s1 =	sor.u32 s28, s1;
	v1 =	vmul.f32 v1, v0  }
0x6f: {  	s1 =	sshra.s32 s1, $0x2  }
0x70: {  	s1 =	sadd.s32 $0x0, s1;
	[tilespmem:s30+$0x8320] =	vst v1  }
0x71: {  	v1 =	vld [tilespmem:s1+$0x300];
	_ =	sdelay $0x4  }
0x72: {  	s31 =	simm.s32 $0x200;
	s28 =	sshll.u32 s26, $0x8;
	v1 =	vmul.f32 v1, v0  }
.LBB2_3:
0x73: {  	p1 =	sne.s32 s31, $0xFE00  }
0x74: {  	s29 =	sadd.s32 $0x1, s29;
	s1 =	smov.u32 s31;
	s31 =	sadd.s32 $0x200, s31;
	[tilespmem:s30+$0x8330] =	vst v1  }
0x75: {  	v1 =	vld [tilespmem:s29+$0x0];
	_ =	sdelay $0x4  }
0x76: {  	(v2sf) =	vpush v1, $0x0;
	_ =	sdelay $0xe  }
0x77: {  	s30 =	sshra.s32 s1, $0x2;
	s1 =	spop (v2sf)  }
0x78: {  	s0 =	sand.u32 $0x7F, s1;
	s14 =	sshll.u32 s1, $0x2;
	s5 =	sadd.s32 $0x10, s1  }
0x79: {  	s14 =	sand.u32 $0xFFFFFE00, s14;
	s0 =	sshll.u32 s0, $0x2;
	s8 =	sand.u32 $0x7F, s5  }
0x7a: {  	s5 =	sshll.u32 s5, $0x2;
	s0 =	sor.u32 s0, s14;
	s8 =	sshll.u32 s8, $0x2  }
0x7b: {  	s5 =	sand.u32 $0xFFFFFE00, s5;
	s14 =	sadd.s32 $0x20, s1;
	s0 =	sshra.s32 s0, $0x2  }
0x7c: {  	s5 =	sor.u32 s8, s5;
	s8 =	sand.u32 $0x7F, s14;
	s0 =	sadd.s32 s30, s0  }
0x7d: {  	s8 =	sshll.u32 s8, $0x2;
	v1 =	vld [tilespmem:s0+$0x300];
	s0 =	sshra.s32 s5, $0x2;
	s5 =	sshll.u32 s14, $0x2  }
0x7e: {  	s1 =	sadd.s32 $0x30, s1;
	s5 =	sand.u32 $0xFFFFFE00, s5  }
0x7f: {  	s5 =	sor.u32 s8, s5;
	s8 =	sand.u32 $0x7F, s1;
	s1 =	sshll.u32 s1, $0x2  }
0x80: {  	s5 =	sshra.s32 s5, $0x2;
	s1 =	sand.u32 $0xFFFFFE00, s1;
	s8 =	sshll.u32 s8, $0x2  }
0x81: {  	s1 =	sor.u32 s8, s1  }
0x82: {  	v1 =	vmul.f32 v1, v0;
	s1 =	sshra.s32 s1, $0x2;
	_ =	sdelay $0x1  }
0x83: {  	s0 =	sadd.s32 s30, s0;
	[tilespmem:s30+$0x8300] =	vst v1  }
0x84: {  	v1 =	vld [tilespmem:s0+$0x300];
	_ =	sdelay $0x4  }
0x85: {  	v1 =	vmul.f32 v1, v0;
	_ =	sdelay $0x1  }
0x86: {  	s0 =	sadd.s32 s30, s5;
	[tilespmem:s30+$0x8310] =	vst v1  }
0x87: {  	v1 =	vld [tilespmem:s0+$0x300];
	_ =	sdelay $0x4  }
0x88: {  	v1 =	vmul.f32 v1, v0;
	_ =	sdelay $0x1  }
0x89: {  	s0 =	sadd.s32 s30, s1;
	[tilespmem:s30+$0x8320] =	vst v1  }
0x8a: {  	v1 =	vld [tilespmem:s0+$0x300]  }
.Ltmp2:
0x8b: {  	(pc) =	sbr.rel @p1 .LBB2_3-.Ltmp2, $2  }
0x8c: {  	_ =	sdelay $0x2  }
0x8d: {  	v1 =	vmul.f32 v1, v0  }
0x8e: {  	p1 =	sne.s32 s26, $0x63  }
.Ltmp3:
0x8f: {  	s0 =	sshll.u32 s26, $0xF;
	(pc) =	sbr.rel @p1 .LBB2_6-.Ltmp3, $4  }
0x90: {  	s0 =	sadd.s32 s9, s0  }
0x91: {  	s0 =	sshrl.u32 s0, $0x3  }
0x92: {  	[tilespmem:s30+$0x8330] =	vst v1;
	s0 =	sadd.s32 s6, s0  }
0x93: {  	[hbm4b:s0+s3] =	stream.linear.scatter [tilespmem:s20], [sflag:$0x3], $0x4000, $0x38;
	[tilespmem:$0x10380] =	vst v63  }
.Ltmp4:
0x94: {  	(pc) =	sbr.rel .LBB2_7-.Ltmp4, $4  }
0x95: {  	_ = 	snop  }
0x96: {  	_ =	swait.ge [sflag:s21], $0x4000  }
0x97: {  	[sflag:s21] =	ssyncset.done $0x0  }
0x98: {  	[sflag:s21] =	ssyncadd.s32 $0xFFFFC000  }
.LBB2_6:
0x99: {  	s0 =	sadd.s32 s28, s10  }
0x9a: {  	s0 =	sshrl.u32 s0, $0x3  }
0x9b: {  	s0 =	sadd.s32 s2, s0  }
0x9c: {  	[tilespmem:s3], [sflag:$0x5] =	stream.linear.gather [hbm4b:s0+s3], $0x80, $0x38;
	[tilespmem:$0x10380] =	vst v63  }
0x9d: {  	_ =	swait.ge [sflag:s15], $0x80  }
0x9e: {  	[sflag:s15] =	ssyncset.done $0x0  }
0x9f: {  	[sflag:s15] =	ssyncadd.s32 $0xFFFFFF80  }
0xa0: {  	v1 =	vld [tilespmem:$0x0]  }
0xa1: {  	v2 =	vld [tilespmem:$0x10];
	_ =	sdelay $0x1  }
0xa2: {  	v3 =	vld [tilespmem:$0x20];
	_ =	sdelay $0x1  }
0xa3: {  	v5 =	vld [tilespmem:$0x30];
	v4 =	vshll.u32 v1, $0x6;
	v1 =	vshra.s32 v1, $0x1  }
0xa4: {  	v59 =	vshll.u32 v2, $0x6;
	v4 =	vand.u32 $0x40, v4;
	[tilespmem:$0x0] =	vst v1  }
0xa5: {  	v60 =	vld [tilespmem:$0x40];
	v1 =	vand.u32 $0x40, v59;
	[tilespmem:$0x100] =	vst v4  }
0xa6: {  	[tilespmem:$0x110] =	vst v1;
	v1 =	vshra.s32 v2, $0x1;
	v2 =	vshll.u32 v3, $0x6  }
0xa7: {  	[tilespmem:$0x10] =	vst v1;
	v1 =	vand.u32 $0x40, v2;
	v2 =	vld [tilespmem:$0x50]  }
0xa8: {  	[tilespmem:$0x120] =	vst v1;
	v1 =	vshra.s32 v3, $0x1;
	v3 =	vshll.u32 v5, $0x6  }
0xa9: {  	[tilespmem:$0x20] =	vst v1;
	v1 =	vand.u32 $0x40, v3;
	v3 =	vld [tilespmem:$0x60]  }
0xaa: {  	v61 =	vshll.u32 v60, $0x6;
	[tilespmem:$0x130] =	vst v1;
	v1 =	vshra.s32 v5, $0x1  }
0xab: {  	v62 =	vld [tilespmem:$0x70];
	[tilespmem:$0x30] =	vst v1;
	v1 =	vand.u32 $0x40, v61  }
0xac: {  	[tilespmem:$0x140] =	vst v1;
	v1 =	vshra.s32 v60, $0x1;
	v63 =	vshll.u32 v2, $0x6  }
0xad: {  	[tilespmem:$0x40] =	vst v1;
	v1 =	vand.u32 $0x40, v63  }
0xae: {  	[tilespmem:$0x150] =	vst v1;
	v1 =	vshra.s32 v2, $0x1;
	v2 =	vshll.u32 v3, $0x6  }
0xaf: {  	[tilespmem:$0x50] =	vst v1;
	v1 =	vand.u32 $0x40, v2  }
0xb0: {  	v2 =	vshll.u32 v62, $0x6;
	[tilespmem:$0x160] =	vst v1;
	v1 =	vshra.s32 v3, $0x1  }
0xb1: {  	[tilespmem:$0x60] =	vst v1;
	v1 =	vand.u32 $0x40, v2  }
0xb2: {  	[tilespmem:$0x170] =	vst v1;
	v1 =	vshra.s32 v62, $0x1  }
.Ltmp5:
0xb3: {  	[tilespmem:$0x70] =	vst v1;
	(pc) =	sbr.rel @p0 .LBB2_8-.Ltmp5, $4  }
0xb4: {  	[tilespmem:s17], [sflag:$0x1] =	stream.indirect.gather [hbm4b:s4+s16], $0x80, s3, s16, $0xb8;
	[tilespmem:$0x10380] =	vst v63  }
0xb5: {  	_ =	swait.ge [sflag:s21], $0x4000  }
0xb6: {  	[sflag:s21] =	ssyncset.done $0x0  }
0xb7: {  	[sflag:s21] =	ssyncadd.s32 $0xFFFFC000  }
.LBB2_7:
0xb8: {  	_ =	swait.ge [sflag:s22], $0x4000  }
0xb9: {  	[sflag:s22] =	ssyncset.done $0x0  }
0xba: {  	[sflag:s22] =	ssyncadd.s32 $0xFFFFC000  }
.LBB2_8:
0xbb: {  	s29 =	simm.s32 $0x200  }
0xbc: {  	v1 =	vld [tilespmem:s29+$0x0];
	_ =	sdelay $0x4  }
0xbd: {  	(v2sf) =	vpush v1, $0x0;
	_ =	sdelay $0xe  }
0xbe: {  	s0 =	spop (v2sf)  }
0xbf: {  	s1 =	sand.u32 $0x7F, s0;
	s5 =	sshll.u32 s0, $0x2  }
0xc0: {  	s5 =	sand.u32 $0xFFFFFE00, s5;
	s1 =	sshll.u32 s1, $0x2  }
0xc1: {  	s1 =	sor.u32 s1, s5  }
0xc2: {  	s1 =	sshra.s32 s1, $0x2  }
0xc3: {  	s1 =	sadd.s32 $0x0, s1  }
0xc4: {  	v1 =	vld [tilespmem:s1+$0x4300];
	_ =	sdelay $0x1  }
0xc5: {  	s8 =	sadd.s32 $0x10, s0  }
0xc6: {  	s14 =	sand.u32 $0x7F, s8;
	s1 =	sshll.u32 s8, $0x2  }
0xc7: {  	s5 =	sshll.u32 s14, $0x2;
	s1 =	sand.u32 $0xFFFFFE00, s1  }
0xc8: {  	s1 =	sor.u32 s5, s1;
	v1 =	vmul.f32 v1, v0  }
0xc9: {  	s30 =	simm.s32 $0x0;
	s1 =	sshra.s32 s1, $0x2  }
0xca: {  	s1 =	sadd.s32 $0x0, s1;
	[tilespmem:s30+$0xC300] =	vst v1  }
0xcb: {  	v1 =	vld [tilespmem:s1+$0x4300];
	_ =	sdelay $0x1  }
0xcc: {  	s5 =	sadd.s32 $0x20, s0  }
0xcd: {  	s8 =	sand.u32 $0x7F, s5;
	s1 =	sshll.u32 s5, $0x2  }
0xce: {  	s5 =	sshll.u32 s8, $0x2;
	s1 =	sand.u32 $0xFFFFFE00, s1  }
0xcf: {  	s1 =	sor.u32 s5, s1;
	v1 =	vmul.f32 v1, v0  }
0xd0: {  	s1 =	sshra.s32 s1, $0x2  }
0xd1: {  	s1 =	sadd.s32 $0x0, s1;
	[tilespmem:s30+$0xC310] =	vst v1  }
0xd2: {  	v1 =	vld [tilespmem:s1+$0x4300];
	_ =	sdelay $0x1  }
0xd3: {  	s0 =	sadd.s32 $0x30, s0  }
0xd4: {  	s14 =	sand.u32 $0x7F, s0;
	s0 =	sshll.u32 s0, $0x2  }
0xd5: {  	s0 =	sand.u32 $0xFFFFFE00, s0;
	s1 =	sshll.u32 s14, $0x2  }
0xd6: {  	s0 =	sor.u32 s1, s0;
	v1 =	vmul.f32 v1, v0  }
0xd7: {  	s0 =	sshra.s32 s0, $0x2  }
0xd8: {  	s0 =	sadd.s32 $0x0, s0;
	[tilespmem:s30+$0xC320] =	vst v1  }
0xd9: {  	v1 =	vld [tilespmem:s0+$0x4300];
	_ =	sdelay $0x4  }
0xda: {  	s31 =	simm.s32 $0x200;
	v1 =	vmul.f32 v1, v0  }
.LBB2_9:
0xdb: {  	p0 =	sne.s32 s31, $0xFE00  }
0xdc: {  	s29 =	sadd.s32 $0x1, s29;
	s0 =	smov.u32 s31;
	s31 =	sadd.s32 $0x200, s31;
	[tilespmem:s30+$0xC330] =	vst v1  }
0xdd: {  	v1 =	vld [tilespmem:s29+$0x0];
	_ =	sdelay $0x4  }
0xde: {  	(v2sf) =	vpush v1, $0x0;
	_ =	sdelay $0xe  }
0xdf: {  	s30 =	sshra.s32 s0, $0x2;
	s0 =	spop (v2sf)  }
0xe0: {  	s1 =	sand.u32 $0x7F, s0;
	s5 =	sshll.u32 s0, $0x2;
	s8 =	sadd.s32 $0x10, s0  }
0xe1: {  	s5 =	sand.u32 $0xFFFFFE00, s5;
	s1 =	sshll.u32 s1, $0x2;
	s14 =	sand.u32 $0x7F, s8  }
0xe2: {  	s1 =	sor.u32 s1, s5;
	s5 =	sshll.u32 s8, $0x2;
	s8 =	sshll.u32 s14, $0x2  }
0xe3: {  	s14 =	sadd.s32 $0x20, s0;
	s1 =	sshra.s32 s1, $0x2;
	s5 =	sand.u32 $0xFFFFFE00, s5  }
0xe4: {  	s1 =	sadd.s32 s30, s1;
	s5 =	sor.u32 s8, s5;
	s8 =	sand.u32 $0x7F, s14  }
0xe5: {  	v1 =	vld [tilespmem:s1+$0x4300];
	s1 =	sshra.s32 s5, $0x2;
	s5 =	sshll.u32 s14, $0x2;
	s8 =	sshll.u32 s8, $0x2  }
0xe6: {  	s0 =	sadd.s32 $0x30, s0;
	s5 =	sand.u32 $0xFFFFFE00, s5  }
0xe7: {  	s5 =	sor.u32 s8, s5;
	s8 =	sand.u32 $0x7F, s0;
	s0 =	sshll.u32 s0, $0x2  }
0xe8: {  	s5 =	sshra.s32 s5, $0x2;
	s0 =	sand.u32 $0xFFFFFE00, s0;
	s8 =	sshll.u32 s8, $0x2  }
0xe9: {  	s0 =	sor.u32 s8, s0  }
0xea: {  	v1 =	vmul.f32 v1, v0;
	s0 =	sshra.s32 s0, $0x2;
	_ =	sdelay $0x1  }
0xeb: {  	s1 =	sadd.s32 s30, s1;
	[tilespmem:s30+$0xC300] =	vst v1  }
0xec: {  	v1 =	vld [tilespmem:s1+$0x4300];
	_ =	sdelay $0x4  }
0xed: {  	v1 =	vmul.f32 v1, v0;
	_ =	sdelay $0x1  }
0xee: {  	s1 =	sadd.s32 s30, s5;
	[tilespmem:s30+$0xC310] =	vst v1  }
0xef: {  	v1 =	vld [tilespmem:s1+$0x4300];
	_ =	sdelay $0x4  }
0xf0: {  	v1 =	vmul.f32 v1, v0;
	_ =	sdelay $0x1  }
0xf1: {  	s0 =	sadd.s32 s30, s0;
	[tilespmem:s30+$0xC320] =	vst v1  }
0xf2: {  	v1 =	vld [tilespmem:s0+$0x4300]  }
.Ltmp6:
0xf3: {  	(pc) =	sbr.rel @p0 .LBB2_9-.Ltmp6, $2  }
0xf4: {  	_ =	sdelay $0x2  }
0xf5: {  	v1 =	vmul.f32 v1, v0  }
0xf6: {  	p0 =	seq.s32 s26, $0x63  }
.Ltmp7:
0xf7: {  	_ = 	snop;
	(pc) =	sbr.rel @p0 .LBB2_12-.Ltmp7, $4  }
0xf8: {  	s0 =	sadd.s32 s28, s11  }
0xf9: {  	s0 =	sshll.u32 s0, $0x4  }
0xfa: {  	[tilespmem:s30+$0xC330] =	vst v1;
	s0 =	sadd.s32 s6, s0  }
0xfb: {  	[hbm4b:s0+s3] =	stream.linear.scatter [tilespmem:s23], [sflag:$0x4], $0x4000, $0x38;
	[tilespmem:$0x10380] =	vst v63  }
0xfc: {  	s0 =	sadd.s32 s28, s12  }
0xfd: {  	s0 =	sshrl.u32 s0, $0x3  }
0xfe: {  	s0 =	sadd.s32 s2, s0  }
0xff: {  	[tilespmem:s16], [sflag:$0x5] =	stream.linear.gather [hbm4b:s0+s3], $0x80, $0x38;
	[tilespmem:$0x10380] =	vst v63  }
0x100: {  	_ =	swait.ge [sflag:s15], $0x80  }
0x101: {  	[sflag:s15] =	ssyncset.done $0x0  }
0x102: {  	[sflag:s15] =	ssyncadd.s32 $0xFFFFFF80  }
0x103: {  	v1 =	vld [tilespmem:$0x80]  }
0x104: {  	v2 =	vld [tilespmem:$0x90];
	_ =	sdelay $0x1  }
0x105: {  	v3 =	vld [tilespmem:$0xA0];
	_ =	sdelay $0x1  }
0x106: {  	v5 =	vld [tilespmem:$0xB0];
	v4 =	vshll.u32 v1, $0x6;
	v1 =	vshra.s32 v1, $0x1  }
0x107: {  	v59 =	vshll.u32 v2, $0x6;
	v4 =	vand.u32 $0x40, v4;
	[tilespmem:$0x80] =	vst v1  }
0x108: {  	v60 =	vld [tilespmem:$0xC0];
	v1 =	vand.u32 $0x40, v59;
	[tilespmem:$0x200] =	vst v4  }
0x109: {  	[tilespmem:$0x210] =	vst v1;
	v1 =	vshra.s32 v2, $0x1;
	v2 =	vshll.u32 v3, $0x6  }
0x10a: {  	[tilespmem:$0x90] =	vst v1;
	v1 =	vand.u32 $0x40, v2;
	v2 =	vld [tilespmem:$0xD0]  }
0x10b: {  	[tilespmem:$0x220] =	vst v1;
	v1 =	vshra.s32 v3, $0x1;
	v3 =	vshll.u32 v5, $0x6  }
0x10c: {  	[tilespmem:$0xA0] =	vst v1;
	v1 =	vand.u32 $0x40, v3;
	v3 =	vld [tilespmem:$0xE0]  }
0x10d: {  	v61 =	vshll.u32 v60, $0x6;
	[tilespmem:$0x230] =	vst v1;
	v1 =	vshra.s32 v5, $0x1  }
0x10e: {  	v62 =	vld [tilespmem:$0xF0];
	[tilespmem:$0xB0] =	vst v1;
	v1 =	vand.u32 $0x40, v61  }
0x10f: {  	[tilespmem:$0x240] =	vst v1;
	v1 =	vshra.s32 v60, $0x1;
	v63 =	vshll.u32 v2, $0x6  }
0x110: {  	[tilespmem:$0xC0] =	vst v1;
	v1 =	vand.u32 $0x40, v63  }
0x111: {  	[tilespmem:$0x250] =	vst v1;
	v1 =	vshra.s32 v2, $0x1;
	v2 =	vshll.u32 v3, $0x6  }
0x112: {  	[tilespmem:$0xD0] =	vst v1;
	v1 =	vand.u32 $0x40, v2  }
.Ltmp8:
0x113: {  	v2 =	vshll.u32 v62, $0x6;
	[tilespmem:$0x260] =	vst v1;
	v1 =	vshra.s32 v3, $0x1;
	(pc) =	sbr.rel .LBB2_2-.Ltmp8, $4  }
0x114: {  	[tilespmem:$0xE0] =	vst v1;
	v1 =	vand.u32 $0x40, v2  }
0x115: {  	[tilespmem:$0x270] =	vst v1;
	v1 =	vshra.s32 v62, $0x1  }
0x116: {  	s26 =	sadd.s32 $0x1, s26;
	[tilespmem:$0xF0] =	vst v1  }
0x117: {  	[tilespmem:s18], [sflag:$0x2] =	stream.indirect.gather [hbm4b:s4+s16], $0x80, s16, s16, $0xb8;
	[tilespmem:$0x10380] =	vst v63  }
.LBB2_13:
0x118: {  	_ =	sfence.sel $0x180000  }
0x119: {  	[bflag:$0x0] =	sbarrier.arrive $0xFFFF  }
0x11a: {  	_ =	strace $0x90000047  }
0x11b: {  	s0 =	stileid.u32;
	[bflag:$0x2] =	sbarrier.arrive $0xFFFF  }
0x11c: {  	p0 =	sne.s32 s0, $0x0;
	s0 =	rddreg [dreg:$0x2]  }
0x11d: {  	s0 =	sadd.s32 @!p0 $0x100000, s0  }
0x11e: {  	[sflag:s0] =	ssyncadd.tile.s32 @!p0 $0x1;
	_ =	shalt  }
.Lfunc_end2:
_tile_overlayer_lowered:
.L_overlay_start_2:
0x11f: {  	(tag) =	ssettag $0x2  }
0x120: {  	s0 =	rddreg [dreg:$0x0];
	s2 =	stileid.u32  }
0x121: {  	s1 =	rddreg [dreg:$0x1];
	p0 =	sne.s32 s2, $0x0  }
0x122: {  	s3 =	rddreg [dreg:$0x2];
	[bflag:$0x3] =	sbarrier.arrive $0xFFFF;
	s2 =	simm.s32 @!p0 $0x1C05  }
0x123: {  	[timem:s3], [sflag:s2] =	dma.local @!p0 [hbm:s0], s1  }
0x124: {  	s0 =	simm.s32 @!p0 $0x5  }
0x125: {  	_ =	swait.ge @!p0 [sflag:s0], s1  }
0x126: {  	s1 =	ssub.s32 @!p0 $0x0, s1;
	[sflag:s0] =	ssyncset.done @!p0 $0x0  }
0x127: {  	[sflag:s0] =	ssyncadd.s32 @!p0 s1  }
0x128: {  	[bflag:$0x3] =	sbarrier.arrive $0xFFFF  }
0x129: {  	_ =	shalt  }

// kernel: sparse-core-data-format-call.cloned.1.call-start
scs
called_computation_lowered:
.L_overlay_start_0:
0x0: {  	s2 =	sld [smem:$0x3FD9]  }
0x1: {  	s3 =	sld [smem:$0x3FFE];
	_ =	sdelay $0x1  }
0x2: {  	s1 =	srdreg.scid  }
0x3: {  	s0 =	sand.u32 $0x1, s1  }
0x4: {  	s18 =	sshll.u32 s0, $0xA;
	s2 =	sadd.s32 s3, s2  }
0x5: {  	s2 =	sadd.s32 s2, s18  }
0x6: {  	[smem:$0x3FC5] =	sst s2  }
0x7: {  	_ = 	snop  }
0x8: {  	s2 =	sld [smem:$0x3FD0];
	(tm) =	ssettm $0x1  }
0x9: {  	s19 =	sld [smem:$0x3FFB];
	_ =	sdelay $0x3  }
0xa: {  	_ =	strace s19  }
0xb: {  	s3 =	sld [smem:$0x3FFC];
	_ =	sdelay $0x3  }
0xc: {  	_ =	strace s3  }
0xd: {  	s3 =	sld [smem:$0x3FFD];
	_ =	sdelay $0x3  }
0xe: {  	_ =	strace s3  }
0xf: {  	_ =	strace $0x8FFFFFFF  }
0x10: {  	s20 =	sld [smem:$0x3FDB];
	_ =	sdelay $0x1  }
0x11: {  	s4 =	simm.s32 $_scs_section_size  }
0x12: {  	s5 =	simm.s32 $_size__tile_overlayer_lowered;
	s6 =	simm.s32 $_tile_overlayer_lowered  }
0x13: {  	s23 =	simm.s32 $0x1BFF;
	s22 =	sshll.u32 s6, $0x1;
	s3 =	sadd.s32 s4, s20  }
0x14: {  	s7 =	simm.s32 $0x0;
	s21 =	sshll.u32 s5, $0x1;
	s5 =	sadd.s32 s22, s3  }
0x15: {  	[timem:s7], [sflag:s23] =	dma.local [hbm:s5], s21  }
0x16: {  	_ =	swait.ge [sflag:s23], s21  }
0x17: {  	s4 =	ssub.s32 $0x0, s21;
	[sflag:s23] =	ssyncset.done $0x0  }
0x18: {  	[sflag:s23] =	ssyncadd.s32 s4;
	_ =	sdelay $0x1  }
0x19: {  	s24 =	simm.s32 $0x1B8B  }
0x1a: {  	_ =	swait.ge [sflag:s24], $0x1  }
0x1b: {  	[sflag:s24] =	ssyncset.done $0x0  }
0x1c: {  	s26 =	simm.s32 $0x1B8E;
	s25 =	sld [smem:$0x3FFE];
	[sflag:s24] =	ssyncadd.s32 $0xFFFFFFFF  }
0x1d: {  	s27 =	simm.s32 $execute0_lowered;
	[smem:$0x3FD2] =	sst s26  }
0x1e: {  	s5 =	sshll.u32 s27, $0x1;
	_ =	strace $0x80000049;
	[dreg:$0x1] =	wrdreg $0xFFFFFFFF  }
0x1f: {  	s28 =	simm.s32 $_size_execute0_lowered;
	s3 =	sadd.s32 s3, s5;
	[dreg:$0x0] =	wrdreg $0x0  }
0x20: {  	s5 =	sshll.u32 s28, $0x1;
	[dreg:$0x2] =	wrdreg s3  }
0x21: {  	[dreg:$0x3] =	wrdreg s5  }
0x22: {  	[dreg:$0x4] =	wrdreg $0xC0  }
0x23: {  	_ =	task [dreg:s7], $0x5FFFF  }
0x24: {  	[dreg:$0x1] =	wrdreg $0xFFFFFFFF  }
0x25: {  	[dreg:$0x0] =	wrdreg $0x60  }
0x26: {  	[dreg:$0x2] =	wrdreg s25  }
0x27: {  	[dreg:$0x3] =	wrdreg s2  }
0x28: {  	[dreg:$0x4] =	wrdreg $0x9  }
0x29: {  	_ =	task.clear_ibuf [dreg:s7], $0x5FFFF;
	_ =	strace $0x90000049  }
0x2a: {  	s29 =	simm.s32 $0x9;
	_ =	strace $0x8000004B  }
0x2b: {  	_ =	swait.ge [sflag:s29], $0x1  }
0x2c: {  	[sflag:s29] =	ssyncadd.s32 $0xFFFFFFFF  }
0x2d: {  	_ =	strace $0x9000004B  }
0x2e: {  	_ =	sfence  }
0x2f: {  	s30 =	sld [smem:$0x0];
	_ =	sdelay $0x2  }
0x30: {  	s31 =	sshll.u32 s1, $0xD;
	s1 =	sshrl.u32 s1, $0x2  }
0x31: {  	s3 =	sand.u32 $0x4000, s31;
	s1 =	sadd.s32 s1, s30  }
0x32: {  	s0 =	sor.u32 s3, s0;
	s1 =	sshll.u32 s1, $0x11  }
0x33: {  	s0 =	sor.u32 s1, s0  }
0x34: {  	s0 =	sadd.s32 $0x8F2B, s0  }
0x35: {  	[sflag:s0] =	ssyncadd.remote.s32 $0x1  }
0x36: {  	_ =	sfence.sel $0xFFFF  }
0x37: {  	[dreg:$0x0] =	wrdreg $0xFFFFFFFF;
	(pc) =	sbr.abs _section_cstart, $3  }
0x38: {  	[dreg:$0x1] =	wrdreg $0xFFFFFFFF  }
0x39: {  	_ =	task.clear_ibuf [dreg:s7], $0x2FFFF;
	_ =	strace $0x9FFFFFFF  }
0x3a: {  	(tm) =	ssettm $0x7FFFFFFF  }
0x3b: {  	_ =	shalt  }
tec
execute0_lowered:
.L_overlay_start_1:
0x0: {  	(tag) =	ssettag $0x1  }
0x1: {  	s0 =	srdreg.scid  }
0x2: {  	s1 =	sshll.u32 s0, $0x4  }
0x3: {  	s0 =	stileid.u32;
	s1 =	sand.u32 $0x10, s1  }
0x4: {  	s1 =	sor.u32 s0, s1  }
0x5: {  	s6 =	rddreg [dreg:$0x0];
	s4 =	simm.s32 $0x1;
	s2 =	sshll.u32 s1, $0x7  }
0x6: {  	s7 =	simm.s32 $0x2;
	s12 =	simm.s32 $0x0;
	s1 =	ssub.s32 $0x1000, s2  }
0x7: {  	s8 =	simm.s32 $0x8000;
	s13 =	simm.s32 $0x0;
	s3 =	sand.u32 $0xF80, s1  }
0x8: {  	s9 =	simm.s32 $0x0;
	s5 =	sshrl.u32 s1, $0xC;
	p0 =	sne.s32 s3, $0x0  }
.Ltmp0:
0x9: {  	s1 =	rddreg [dreg:$0x2];
	s4 =	simm.s32 @!p0 $0x0;
	(pc) =	sbr.rel .LBB1_1-.Ltmp0, $4  }
0xa: {  	s11 =	simm.s32 $0x0;
	s3 =	rddreg [dreg:$0x1];
	s5 =	sadd.s32 s4, s5  }
0xb: {  	_ =	strace $0x8000004A;
	s4 =	simm.s32 $0x1;
	s5 =	smul.u32 $0xC8, s5  }
0xc: {  	s6 =	sadd.s32 $0xC00, s6;
	s10 =	smov.u32 s2;
	[sflag:s4] =	ssyncpa.u1 $0x0  }
0xd: {  	p0 =	por $0x0, $0x0;
	[sflag:s7] =	ssyncpa.u1 $0x0;
	s7 =	sor.u32 $0x1, s5  }
.LBB1_4:
0xe: {  	s16 =	sshll.u32 s13, $0x3;
	s17 =	sand.u32 $0x78, s13  }
0xf: {  	s30 =	sand.u32 $0x7E00, s13;
	s12 =	sshll.u32 s12, $0xF;
	s16 =	sand.u32 $0xC00, s16  }
0x10: {  	[tilespmem:s15+$0x810 ss:$0x81] =	vst.msk $0xffff, v2;
	s31 =	sand.u32 $0x7, s13;
	s16 =	sor.u32 s17, s16;
	s17 =	sadd.s32 s3, s30  }
0x11: {  	[tilespmem:s15+$0x1020 ss:$0x81] =	vst.msk $0xffff, v0;
	s13 =	sshll.u32 s31, $0x12;
	s12 =	sadd.s32 s12, s17;
	s16 =	sshrl.u32 s16, $0x3  }
0x12: {  	[tilespmem:s15+$0x0 ss:$0x81] =	vst.msk $0xffff, v1;
	s13 =	sor.u32 $0x400, s13;
	s12 =	sadd.s32 s16, s12  }
0x13: {  	[hbm4b:s12+s13] =	stream.strided.scatter [tilespmem:s14], [sflag:$0x2], $0x2000, s8, s13, $0x20;
	[tilespmem:$0x8080] =	vst v63  }
.LBB1_5:
0x14: {  	s14 =	sadd.s32 $0x1, s9  }
0x15: {  	s12 =	sadd.s32 $0x1000, s10;
	s16 =	smov.u32 s10;
	p2 =	sgt.s32 s14, $0xC7  }
0x16: {  	s16 =	smov.u32 @p2 s12  }
0x17: {  	s14 =	simm.s32 @p2 $0x0;
	p2 =	sgt.s32 s16, $0xFFF  }
0x18: {  	s16 =	smov.u32 @p2 s2;
	p2 =	sne.s32 s11, s7  }
.Ltmp1:
0x19: {  	p1 =	slt.u32 s11, $0x2;
	(pc) =	sbr.rel @!p2 .LBB1_6-.Ltmp1, $4  }
0x1a: {  	s15 =	simm.s32 @!p1 $0x2  }
0x1b: {  	s13 =	smov.u32 s10;
	p0 =	por !p0, !p0;
	_ =	swait.ge @!p1 [sflag:s15], $0x2000  }
0x1c: {  	s12 =	smov.u32 s9;
	[sflag:s15] =	ssyncset.done @!p1 $0x0;
	s9 =	smov.u32 s14  }
0x1d: {  	s11 =	sadd.s32 $0x1, s11;
	[sflag:s15] =	ssyncadd.s32 @!p1 $0xFFFFE000;
	s10 =	smov.u32 s16  }
.LBB1_1:
0x1e: {  	p1 =	sge.u32 s11, s5  }
0x1f: {  	s14 =	sand.u32 @!p1 $0x1FFFFFF, s9  }
0x20: {  	s15 =	smulhi.u32 @!p1 $0x147AE15, s14;
	_ =	sdelay $0x1  }
0x21: {  	s15 =	smul.u32 @!p1 $0xC8, s15  }
0x22: {  	s16 =	sxor.u32 @!p1 $0xFFFFFFFF, s11;
	s17 =	smul.u32 @!p1 $0xC80, s10  }
0x23: {  	s31 =	sadd.s32 $0xFFFFFFFF, s11;
	s16 =	sshll.u32 @!p1 s16, $0xD;
	s14 =	ssub.s32 @!p1 s14, s15  }
0x24: {  	s15 =	sand.u32 @!p1 $0x2000, s16;
	s16 =	sadd.s32 @!p1 s6, s17;
	s14 =	sshll.u32 @!p1 s14, $0x4  }
0x25: {  	s17 =	simm.s32 @!p1 $0x6400;
	s14 =	sadd.s32 @!p1 s14, s16;
	s16 =	simm.s32 @!p1 $0x40  }
0x26: {  	[tilespmem:s15], [sflag:$0x1] =	stream.strided.gather @!p1 [hbm4b:s14+s16], $0x2000, s17, s16, $0x38;
	[tilespmem:$0x8080] =	vst v63  }
0x27: {  	p1 =	sge.u32 s31, s5  }
.Ltmp2:
0x28: {  	_ = 	snop;
	(pc) =	sbr.rel @p1 .LBB1_5-.Ltmp2, $1  }
0x29: {  	_ =	sdelay $0x3  }
0x2a: {  	s14 =	simm.s32 $0x1  }
0x2b: {  	_ =	swait.ge [sflag:s4], $0x2000;
	s14 =	simm.s32 @!p0 $0x0  }
0x2c: {  	[sflag:s4] =	ssyncset.done $0x0;
	s15 =	sshll.u32 s14, $0xD  }
0x2d: {  	[sflag:s4] =	ssyncadd.s32 $0xFFFFE000;
	s18 =	sor.u32 $0x20, s15  }
0x2e: {  	s14 =	smul.u32 $0x8100, s14;
	v3 =	vld [tilespmem:s18+$0x10]  }
0x2f: {  	s30 =	sand.u32 $0x1, s11;
	v2 =	vld [tilespmem:s18+$0xFFFFFFF0]  }
0x30: {  	s15 =	smul.u32 $0x8100, s30;
	s14 =	sshrl.u32 s14, $0x2;
	v0 =	vld [tilespmem:s18+$0x0]  }
0x31: {  	v1 =	vld [tilespmem:s18+$0xFFFFFFE0];
	s16 =	sor.u32 $0x4000, s14  }
0x32: {  	s31 =	sshrl.u32 s15, $0x2;
	s15 =	sadd.s32 $0x0, s16  }
0x33: {  	s17 =	simm.s32 $0x4;
	s18 =	sadd.s32 $0x40, s18;
	s14 =	sor.u32 $0x4000, s31;
	[tilespmem:s15+$0x1830 ss:$0x81] =	vst.msk $0xffff, v3  }
.LBB1_3:
0x34: {  	v3 =	vld [tilespmem:s18+$0x10];
	p1 =	sne.s32 s17, $0x1FC;
	[tilespmem:s15+$0x810 ss:$0x81] =	vst.msk $0xffff, v2;
	s19 =	smov.u32 s17;
	s17 =	sadd.s32 $0x4, s17  }
.Ltmp3:
0x35: {  	v2 =	vld [tilespmem:s18+$0xFFFFFFF0];
	[tilespmem:s15+$0x1020 ss:$0x81] =	vst.msk $0xffff, v0;
	(pc) =	sbr.rel @p1 .LBB1_3-.Ltmp3, $4  }
0x36: {  	v0 =	vld [tilespmem:s18+$0x0];
	[tilespmem:s15+$0x0 ss:$0x81] =	vst.msk $0xffff, v1  }
0x37: {  	s15 =	sshra.s32 s19, $0x2;
	v1 =	vld [tilespmem:s18+$0xFFFFFFE0]  }
0x38: {  	s15 =	sadd.s32 s15, s16  }
0x39: {  	s18 =	sadd.s32 $0x40, s18;
	[tilespmem:s15+$0x1830 ss:$0x81] =	vst.msk $0xffff, v3  }
.Ltmp4:
0x3a: {  	_ = 	snop;
	(pc) =	sbr.rel .LBB1_4-.Ltmp4, $1  }
0x3b: {  	_ =	sdelay $0x3  }
.LBB1_6:
0x3c: {  	_ =	sfence.sel $0x180000  }
0x3d: {  	s2 =	simm.s32 $0x1;
	[bflag:$0x0] =	sbarrier.arrive $0xFFFF  }
0x3e: {  	s31 =	simm.s32 $0x2;
	[sflag:s2] =	ssyncpa.u1 $0x1  }
0x3f: {  	[sflag:s31] =	ssyncpa.u1 $0x1  }
0x40: {  	p0 =	sne.s32 s0, $0x0;
	_ =	strace $0x9000004A  }
0x41: {  	s0 =	sadd.s32 @!p0 $0x100000, s1;
	[bflag:$0x2] =	sbarrier.arrive $0xFFFF  }
0x42: {  	[sflag:s0] =	ssyncadd.tile.s32 @!p0 $0x1;
	_ =	shalt  }
.Lfunc_end1:
_tile_overlayer_lowered:
.L_overlay_start_2:
0x43: {  	(tag) =	ssettag $0x2  }
0x44: {  	s0 =	rddreg [dreg:$0x0];
	s2 =	stileid.u32  }
0x45: {  	s1 =	rddreg [dreg:$0x1];
	p0 =	sne.s32 s2, $0x0  }
0x46: {  	s3 =	rddreg [dreg:$0x2];
	[bflag:$0x3] =	sbarrier.arrive $0xFFFF;
	s2 =	simm.s32 @!p0 $0x1C01  }
0x47: {  	[timem:s3], [sflag:s2] =	dma.local @!p0 [hbm:s0], s1  }
0x48: {  	s0 =	simm.s32 @!p0 $0x1  }
0x49: {  	_ =	swait.ge @!p0 [sflag:s0], s1  }
0x4a: {  	s1 =	ssub.s32 @!p0 $0x0, s1;
	[sflag:s0] =	ssyncset.done @!p0 $0x0  }
0x4b: {  	[sflag:s0] =	ssyncadd.s32 @!p0 s1  }
0x4c: {  	[bflag:$0x3] =	sbarrier.arrive $0xFFFF  }
0x4d: {  	_ =	shalt  }

</sc_bundles>
